<compile_context>
chip_gen: v7x
topology: tpu7x:2x2x1
jax: 0.10.2.dev20260603
libtpu: 0.0.44.dev20260713+nightly
codegen_flags: <defaults>
</compile_context>

<pallas_src>
import functools

import jax
import jax.numpy as jnp
from jax import lax
from jax.experimental import pallas as pl
from jax.experimental.pallas import tpu as pltpu
from jax.experimental.pallas import tpu_sc as plsc

_NBUF = 4
_NW = 32
_CB = 8
_L = 16
_W = 128


def _gather_kernel(bsz, h, d):
    hp = -(-h // 8) * 8
    rows_per_w = bsz // _NW
    n_chunks = rows_per_w // _CB
    n_outer = n_chunks // _NBUF
    chunk = _CB * h
    n_spans = chunk // _L
    mesh = plsc.VectorSubcoreMesh(core_axis_name="c", subcore_axis_name="s")

    @functools.partial(
        pl.kernel,
        mesh=mesh,
        out_type=jax.ShapeDtypeStruct((bsz, hp, _W), jnp.float32),
        scratch_types=(
            [
                pltpu.VMEM((rows_per_w, hp), jnp.int32),
                pltpu.VMEM((n_chunks, chunk), jnp.int32),
            ]
            + [pltpu.VMEM((chunk, d), jnp.float32) for _ in range(_NBUF)]
            + [pltpu.SemaphoreType.DMA for _ in range(2 * _NBUF)]
        ),
        compiler_params=pltpu.CompilerParams(
            use_tc_tiling_on_sc=False, needs_layout_passes=False
        ),
    )
    def k(lookup_hbm, tab_hbm, out_hbm, idx2_v, idx_v, *bufs_and_sems):
        bufs = bufs_and_sems[:_NBUF]
        sem_g = bufs_and_sems[_NBUF : 2 * _NBUF]
        sem_s = bufs_and_sems[2 * _NBUF :]
        wid = lax.axis_index("s") * 2 + lax.axis_index("c")
        rbase = wid * rows_per_w
        pltpu.sync_copy(
            lookup_hbm.at[pl.ds(rbase, rows_per_w), pl.ds(0, hp)], idx2_v
        )

        lanes = jax.lax.iota(jnp.int32, _L)

        def flatten(g, carry):
            r0 = g * _CB
            for k_ in range(n_spans):
                pos = k_ * _L + lanes
                rk = lax.div(pos, h)
                ck = pos - rk * h
                vals = plsc.load_gather(idx2_v, [r0 + rk, ck])
                idx_v[g, pl.ds(k_ * _L, _L)] = vals
            return carry

        lax.fori_loop(0, n_chunks, flatten, 0)

        def start_gather(j, b):
            pltpu.async_copy(tab_hbm.at[idx_v.at[j]], bufs[b], sem_g[b])

        def wait_gather(b):
            pltpu.make_async_copy(
                tab_hbm.at[pl.ds(0, chunk)], bufs[b], sem_g[b]
            ).wait()

        def start_store(j, b):
            for r in range(_CB):
                pltpu.async_copy(
                    bufs[b].at[pl.ds(r * h, h)],
                    out_hbm.at[rbase + j * _CB + r, pl.ds(0, h), pl.ds(0, d)],
                    sem_s[b],
                )

        def wait_store(b):
            pltpu.make_async_copy(
                bufs[b], tab_hbm.at[pl.ds(0, chunk)], sem_s[b]
            ).wait()

        for b in range(_NBUF - 1):
            start_gather(b, b)

        def outer(g, carry):
            for b in range(_NBUF):
                j = g * _NBUF + b
                pb = (b - 1) % _NBUF
                wait_gather(b)
                start_store(j, b)

                @pl.when(j > 0)
                def _():
                    wait_store(pb)

                @pl.when(j + _NBUF - 1 < n_chunks)
                def _():
                    start_gather(j + _NBUF - 1, pb)

            return carry

        lax.fori_loop(0, n_outer, outer, 0)
        wait_store((n_chunks - 1) % _NBUF)

    return k


def kernel(lookup, embedding_table):
    bsz, h = lookup.shape
    v, d = embedding_table.shape
    lookup_pad = jnp.pad(lookup, ((0, 0), (0, _W - h)))
    out = _gather_kernel(bsz, h, d)(lookup_pad, embedding_table)
    return out[:, :h, :d]

# --- scband reference (transcript-rebuilt; emitter-appended) ---
"""Pipeline reference for scband-discrete-field-embedder-47553877901720 (READ-ONLY COPY).

The authoritative reference and input builder live on the scoring server;
editing this copy changes nothing except your own understanding.
"""

import jax, jax.numpy as jnp
import numpy as np

N_LEVELS = 1000000
N_SPECIAL = 4
D_FIELD = 32
BATCH = 16384
HIST = 50


def setup_inputs(seed: int = 0) -> dict:
    key = jax.random.key(seed)
    k_idx, k_tab = jax.random.split(key)
    lookup = jax.random.randint(k_idx, (BATCH, HIST), 0, N_LEVELS + N_SPECIAL, dtype=jnp.int64 if jax.config.jax_enable_x64 else jnp.int32)
    embedding_table = jax.random.normal(k_tab, (N_LEVELS + N_SPECIAL, D_FIELD), dtype=jnp.float32) * 0.02
    return {"lookup": lookup, "embedding_table": embedding_table}


def reference(lookup, embedding_table):
    # DiscreteFieldEmbedder.forward: self.embeddings(inputs['lookup'])
    # nn.Embedding lookup == row gather from the table.
    return jnp.take(embedding_table, lookup, axis=0)

if __name__ == "__main__":
    import jax
    _d = setup_inputs()
    print(jax.jit(kernel)(*tuple(_d.values())))

</pallas_src>

<mosaic_0001>
#map = affine_map<(d0, d1) -> (0, 0)>
#map1 = affine_map<(d0, d1) -> (0, 0, 0)>
module attributes {stable_mosaic.version = 14 : i64} {
  func.func @k(%arg0: i32, %arg1: i32, %arg2: memref<16384x128xi32, #tpu.memory_space<hbm>>, %arg3: memref<1000004x32xf32, #tpu.memory_space<hbm>>, %arg4: memref<16384x56x128xf32, #tpu.memory_space<hbm>>, %arg5: memref<512x56xi32, #tpu.memory_space<vmem>>, %arg6: memref<64x400xi32, #tpu.memory_space<vmem>>, %arg7: memref<400x32xf32, #tpu.memory_space<vmem>>, %arg8: memref<400x32xf32, #tpu.memory_space<vmem>>, %arg9: memref<400x32xf32, #tpu.memory_space<vmem>>, %arg10: memref<400x32xf32, #tpu.memory_space<vmem>>, %arg11: memref<!tpu.dma_semaphore, #tpu.memory_space<semaphore_mem>>, %arg12: memref<!tpu.dma_semaphore, #tpu.memory_space<semaphore_mem>>, %arg13: memref<!tpu.dma_semaphore, #tpu.memory_space<semaphore_mem>>, %arg14: memref<!tpu.dma_semaphore, #tpu.memory_space<semaphore_mem>>, %arg15: memref<!tpu.dma_semaphore, #tpu.memory_space<semaphore_mem>>, %arg16: memref<!tpu.dma_semaphore, #tpu.memory_space<semaphore_mem>>, %arg17: memref<!tpu.dma_semaphore, #tpu.memory_space<semaphore_mem>>, %arg18: memref<!tpu.dma_semaphore, #tpu.memory_space<semaphore_mem>>) attributes {dimension_semantics = [#tpu.dimension_semantics<core_parallel>, #tpu.dimension_semantics<subcore_parallel>], iteration_bounds = array<i64: 2, 16>, scalar_prefetch = 0 : i64, scratch_operands = 14 : i64, tpu.core_type = #tpu.core_type<sc_vector_subcore>, window_params = [{transform_indices = #map}, {transform_indices = #map}, {transform_indices = #map1}]} {
    %mul3A = arith.constant 2 : i32
    %mul3A_0 = arith.muli %arg1, %mul3A : i32
    %add3A = arith.addi %mul3A_0, %arg0 : i32
    %mul3A_1 = arith.constant 512 : i32
    %mul3A_2 = arith.muli %add3A, %mul3A_1 : i32
    "tpu.region"() ({
      %run_scoped3A = tpu.sem_alloc : memref<!tpu.dma_semaphore, #tpu.memory_space<semaphore_mem>>
      %dma_start3A_39 = arith.constant 0 : i32
      %dma_start3A_40 = tpu.memref_slice %arg2[%mul3A_2, %dma_start3A_39] : memref<16384x128xi32, #tpu.memory_space<hbm>> -> memref<512x56xi32, #tpu.memory_space<hbm>>
      %dma_start3A_41 = arith.constant 0 : i32
      %dma_start3A_42 = tpu.memref_slice %arg2[%mul3A_2, %dma_start3A_41] : memref<16384x128xi32, #tpu.memory_space<hbm>> -> memref<512x56xi32, #tpu.memory_space<hbm>>
      tpu.enqueue_dma source(%dma_start3A_42 : memref<512x56xi32, #tpu.memory_space<hbm>>) target(%arg5 : memref<512x56xi32, #tpu.memory_space<vmem>>) target_semaphore(%run_scoped3A : memref<!tpu.dma_semaphore, #tpu.memory_space<semaphore_mem>>)
      %dma_wait3A_43 = arith.constant 0 : i32
      %dma_wait3A_44 = tpu.memref_slice %arg2[%mul3A_2, %dma_wait3A_43] : memref<16384x128xi32, #tpu.memory_space<hbm>> -> memref<512x56xi32, #tpu.memory_space<hbm>>
      %dma_wait3A_45 = arith.constant 0 : i32
      %dma_wait3A_46 = tpu.memref_slice %arg2[%mul3A_2, %dma_wait3A_45] : memref<16384x128xi32, #tpu.memory_space<hbm>> -> memref<512x56xi32, #tpu.memory_space<hbm>>
      tpu.wait_dma2 semaphore(%run_scoped3A : memref<!tpu.dma_semaphore, #tpu.memory_space<semaphore_mem>>) src(%dma_wait3A_46 : memref<512x56xi32, #tpu.memory_space<hbm>>) dst(%arg5 : memref<512x56xi32, #tpu.memory_space<vmem>>)
      tpu.yield
    }) : () -> ()
    %iota3A = tpu.iota {dimensions = array<i32: 0>} : vector<16xi32>
    %scan3A = arith.constant 0 : i32
    %scan3A_3 = arith.constant 0 : i32
    %scan3A_4 = arith.constant 64 : i32
    %scan3A_5 = arith.addi %scan3A_3, %scan3A_4 : i32
    %scan3A_6 = arith.constant 1 : i32
    scf.for %scan3A_39 = %scan3A_3 to %scan3A_5 step %scan3A_6  : i32 {
      %mul3A_40 = arith.constant 8 : i32
      %mul3A_41 = arith.muli %scan3A_39, %mul3A_40 : i32
      %add3A_42 = arith.constant 0 : i32
      %add3A_43 = vector.broadcast %add3A_42 : i32 to vector<16xi32>
      %add3A_44 = arith.addi %add3A_43, %iota3A : vector<16xi32>
      %div3A = arith.constant 50 : i32
      %div3A_45 = vector.broadcast %div3A : i32 to vector<16xi32>
      %div3A_46 = arith.divsi %add3A_44, %div3A_45 : vector<16xi32>
      %mul3A_47 = arith.constant 50 : i32
      %mul3A_48 = vector.broadcast %mul3A_47 : i32 to vector<16xi32>
      %mul3A_49 = arith.muli %div3A_46, %mul3A_48 : vector<16xi32>
      %sub3A = arith.subi %add3A_44, %mul3A_49 : vector<16xi32>
      %add3A_50 = vector.broadcast %mul3A_41 : i32 to vector<16xi32>
      %add3A_51 = arith.addi %add3A_50, %div3A_46 : vector<16xi32>
      %gather3A = tpu.vector_load_idx %arg5[%add3A_51, %sub3A] : memref<512x56xi32, #tpu.memory_space<vmem>>[vector<16xi32>, vector<16xi32>], vector<16xi32>,
      %swap3A = arith.index_cast %scan3A_39 : i32 to index
      %swap3A_52 = arith.constant 0 : index
      %swap3A_53 = tpu.vector_load %arg6[%swap3A, %swap3A_52] {strides = array<i32>} : memref<64x400xi32, #tpu.memory_space<vmem>>, vector<16xi32>,
      tpu.vector_store %arg6[%swap3A, %swap3A_52], %gather3A {strides = array<i32>} : memref<64x400xi32, #tpu.memory_space<vmem>>, vector<16xi32>,
      %add3A_54 = arith.constant 16 : i32
      %add3A_55 = vector.broadcast %add3A_54 : i32 to vector<16xi32>
      %add3A_56 = arith.addi %add3A_55, %iota3A : vector<16xi32>
      %div3A_57 = arith.constant 50 : i32
      %div3A_58 = vector.broadcast %div3A_57 : i32 to vector<16xi32>
      %div3A_59 = arith.divsi %add3A_56, %div3A_58 : vector<16xi32>
      %mul3A_60 = arith.constant 50 : i32
      %mul3A_61 = vector.broadcast %mul3A_60 : i32 to vector<16xi32>
      %mul3A_62 = arith.muli %div3A_59, %mul3A_61 : vector<16xi32>
      %sub3A_63 = arith.subi %add3A_56, %mul3A_62 : vector<16xi32>
      %add3A_64 = vector.broadcast %mul3A_41 : i32 to vector<16xi32>
      %add3A_65 = arith.addi %add3A_64, %div3A_59 : vector<16xi32>
      %gather3A_66 = tpu.vector_load_idx %arg5[%add3A_65, %sub3A_63] : memref<512x56xi32, #tpu.memory_space<vmem>>[vector<16xi32>, vector<16xi32>], vector<16xi32>,
      %swap3A_67 = arith.index_cast %scan3A_39 : i32 to index
      %swap3A_68 = arith.constant 16 : index
      %swap3A_69 = tpu.vector_load %arg6[%swap3A_67, %swap3A_68] {strides = array<i32>} : memref<64x400xi32, #tpu.memory_space<vmem>>, vector<16xi32>,
      tpu.vector_store %arg6[%swap3A_67, %swap3A_68], %gather3A_66 {strides = array<i32>} : memref<64x400xi32, #tpu.memory_space<vmem>>, vector<16xi32>,
      %add3A_70 = arith.constant 32 : i32
      %add3A_71 = vector.broadcast %add3A_70 : i32 to vector<16xi32>
      %add3A_72 = arith.addi %add3A_71, %iota3A : vector<16xi32>
      %div3A_73 = arith.constant 50 : i32
      %div3A_74 = vector.broadcast %div3A_73 : i32 to vector<16xi32>
      %div3A_75 = arith.divsi %add3A_72, %div3A_74 : vector<16xi32>
      %mul3A_76 = arith.constant 50 : i32
      %mul3A_77 = vector.broadcast %mul3A_76 : i32 to vector<16xi32>
      %mul3A_78 = arith.muli %div3A_75, %mul3A_77 : vector<16xi32>
      %sub3A_79 = arith.subi %add3A_72, %mul3A_78 : vector<16xi32>
      %add3A_80 = vector.broadcast %mul3A_41 : i32 to vector<16xi32>
      %add3A_81 = arith.addi %add3A_80, %div3A_75 : vector<16xi32>
      %gather3A_82 = tpu.vector_load_idx %arg5[%add3A_81, %sub3A_79] : memref<512x56xi32, #tpu.memory_space<vmem>>[vector<16xi32>, vector<16xi32>], vector<16xi32>,
      %swap3A_83 = arith.index_cast %scan3A_39 : i32 to index
      %swap3A_84 = arith.constant 32 : index
      %swap3A_85 = tpu.vector_load %arg6[%swap3A_83, %swap3A_84] {strides = array<i32>} : memref<64x400xi32, #tpu.memory_space<vmem>>, vector<16xi32>,
      tpu.vector_store %arg6[%swap3A_83, %swap3A_84], %gather3A_82 {strides = array<i32>} : memref<64x400xi32, #tpu.memory_space<vmem>>, vector<16xi32>,
      %add3A_86 = arith.constant 48 : i32
      %add3A_87 = vector.broadcast %add3A_86 : i32 to vector<16xi32>
      %add3A_88 = arith.addi %add3A_87, %iota3A : vector<16xi32>
      %div3A_89 = arith.constant 50 : i32
      %div3A_90 = vector.broadcast %div3A_89 : i32 to vector<16xi32>
      %div3A_91 = arith.divsi %add3A_88, %div3A_90 : vector<16xi32>
      %mul3A_92 = arith.constant 50 : i32
      %mul3A_93 = vector.broadcast %mul3A_92 : i32 to vector<16xi32>
      %mul3A_94 = arith.muli %div3A_91, %mul3A_93 : vector<16xi32>
      %sub3A_95 = arith.subi %add3A_88, %mul3A_94 : vector<16xi32>
      %add3A_96 = vector.broadcast %mul3A_41 : i32 to vector<16xi32>
      %add3A_97 = arith.addi %add3A_96, %div3A_91 : vector<16xi32>
      %gather3A_98 = tpu.vector_load_idx %arg5[%add3A_97, %sub3A_95] : memref<512x56xi32, #tpu.memory_space<vmem>>[vector<16xi32>, vector<16xi32>], vector<16xi32>,
      %swap3A_99 = arith.index_cast %scan3A_39 : i32 to index
      %swap3A_100 = arith.constant 48 : index
      %swap3A_101 = tpu.vector_load %arg6[%swap3A_99, %swap3A_100] {strides = array<i32>} : memref<64x400xi32, #tpu.memory_space<vmem>>, vector<16xi32>,
      tpu.vector_store %arg6[%swap3A_99, %swap3A_100], %gather3A_98 {strides = array<i32>} : memref<64x400xi32, #tpu.memory_space<vmem>>, vector<16xi32>,
      %add3A_102 = arith.constant 64 : i32
      %add3A_103 = vector.broadcast %add3A_102 : i32 to vector<16xi32>
      %add3A_104 = arith.addi %add3A_103, %iota3A : vector<16xi32>
      %div3A_105 = arith.constant 50 : i32
      %div3A_106 = vector.broadcast %div3A_105 : i32 to vector<16xi32>
      %div3A_107 = arith.divsi %add3A_104, %div3A_106 : vector<16xi32>
      %mul3A_108 = arith.constant 50 : i32
      %mul3A_109 = vector.broadcast %mul3A_108 : i32 to vector<16xi32>
      %mul3A_110 = arith.muli %div3A_107, %mul3A_109 : vector<16xi32>
      %sub3A_111 = arith.subi %add3A_104, %mul3A_110 : vector<16xi32>
      %add3A_112 = vector.broadcast %mul3A_41 : i32 to vector<16xi32>
      %add3A_113 = arith.addi %add3A_112, %div3A_107 : vector<16xi32>
      %gather3A_114 = tpu.vector_load_idx %arg5[%add3A_113, %sub3A_111] : memref<512x56xi32, #tpu.memory_space<vmem>>[vector<16xi32>, vector<16xi32>], vector<16xi32>,
      %swap3A_115 = arith.index_cast %scan3A_39 : i32 to index
      %swap3A_116 = arith.constant 64 : index
      %swap3A_117 = tpu.vector_load %arg6[%swap3A_115, %swap3A_116] {strides = array<i32>} : memref<64x400xi32, #tpu.memory_space<vmem>>, vector<16xi32>,
      tpu.vector_store %arg6[%swap3A_115, %swap3A_116], %gather3A_114 {strides = array<i32>} : memref<64x400xi32, #tpu.memory_space<vmem>>, vector<16xi32>,
      %add3A_118 = arith.constant 80 : i32
      %add3A_119 = vector.broadcast %add3A_118 : i32 to vector<16xi32>
      %add3A_120 = arith.addi %add3A_119, %iota3A : vector<16xi32>
      %div3A_121 = arith.constant 50 : i32
      %div3A_122 = vector.broadcast %div3A_121 : i32 to vector<16xi32>
      %div3A_123 = arith.divsi %add3A_120, %div3A_122 : vector<16xi32>
      %mul3A_124 = arith.constant 50 : i32
      %mul3A_125 = vector.broadcast %mul3A_124 : i32 to vector<16xi32>
      %mul3A_126 = arith.muli %div3A_123, %mul3A_125 : vector<16xi32>
      %sub3A_127 = arith.subi %add3A_120, %mul3A_126 : vector<16xi32>
      %add3A_128 = vector.broadcast %mul3A_41 : i32 to vector<16xi32>
      %add3A_129 = arith.addi %add3A_128, %div3A_123 : vector<16xi32>
      %gather3A_130 = tpu.vector_load_idx %arg5[%add3A_129, %sub3A_127] : memref<512x56xi32, #tpu.memory_space<vmem>>[vector<16xi32>, vector<16xi32>], vector<16xi32>,
      %swap3A_131 = arith.index_cast %scan3A_39 : i32 to index
      %swap3A_132 = arith.constant 80 : index
      %swap3A_133 = tpu.vector_load %arg6[%swap3A_131, %swap3A_132] {strides = array<i32>} : memref<64x400xi32, #tpu.memory_space<vmem>>, vector<16xi32>,
      tpu.vector_store %arg6[%swap3A_131, %swap3A_132], %gather3A_130 {strides = array<i32>} : memref<64x400xi32, #tpu.memory_space<vmem>>, vector<16xi32>,
      %add3A_134 = arith.constant 96 : i32
      %add3A_135 = vector.broadcast %add3A_134 : i32 to vector<16xi32>
      %add3A_136 = arith.addi %add3A_135, %iota3A : vector<16xi32>
      %div3A_137 = arith.constant 50 : i32
      %div3A_138 = vector.broadcast %div3A_137 : i32 to vector<16xi32>
      %div3A_139 = arith.divsi %add3A_136, %div3A_138 : vector<16xi32>
      %mul3A_140 = arith.constant 50 : i32
      %mul3A_141 = vector.broadcast %mul3A_140 : i32 to vector<16xi32>
      %mul3A_142 = arith.muli %div3A_139, %mul3A_141 : vector<16xi32>
      %sub3A_143 = arith.subi %add3A_136, %mul3A_142 : vector<16xi32>
      %add3A_144 = vector.broadcast %mul3A_41 : i32 to vector<16xi32>
      %add3A_145 = arith.addi %add3A_144, %div3A_139 : vector<16xi32>
      %gather3A_146 = tpu.vector_load_idx %arg5[%add3A_145, %sub3A_143] : memref<512x56xi32, #tpu.memory_space<vmem>>[vector<16xi32>, vector<16xi32>], vector<16xi32>,
      %swap3A_147 = arith.index_cast %scan3A_39 : i32 to index
      %swap3A_148 = arith.constant 96 : index
      %swap3A_149 = tpu.vector_load %arg6[%swap3A_147, %swap3A_148] {strides = array<i32>} : memref<64x400xi32, #tpu.memory_space<vmem>>, vector<16xi32>,
      tpu.vector_store %arg6[%swap3A_147, %swap3A_148], %gather3A_146 {strides = array<i32>} : memref<64x400xi32, #tpu.memory_space<vmem>>, vector<16xi32>,
      %add3A_150 = arith.constant 112 : i32
      %add3A_151 = vector.broadcast %add3A_150 : i32 to vector<16xi32>
      %add3A_152 = arith.addi %add3A_151, %iota3A : vector<16xi32>
      %div3A_153 = arith.constant 50 : i32
      %div3A_154 = vector.broadcast %div3A_153 : i32 to vector<16xi32>
      %div3A_155 = arith.divsi %add3A_152, %div3A_154 : vector<16xi32>
      %mul3A_156 = arith.constant 50 : i32
      %mul3A_157 = vector.broadcast %mul3A_156 : i32 to vector<16xi32>
      %mul3A_158 = arith.muli %div3A_155, %mul3A_157 : vector<16xi32>
      %sub3A_159 = arith.subi %add3A_152, %mul3A_158 : vector<16xi32>
      %add3A_160 = vector.broadcast %mul3A_41 : i32 to vector<16xi32>
      %add3A_161 = arith.addi %add3A_160, %div3A_155 : vector<16xi32>
      %gather3A_162 = tpu.vector_load_idx %arg5[%add3A_161, %sub3A_159] : memref<512x56xi32, #tpu.memory_space<vmem>>[vector<16xi32>, vector<16xi32>], vector<16xi32>,
      %swap3A_163 = arith.index_cast %scan3A_39 : i32 to index
      %swap3A_164 = arith.constant 112 : index
      %swap3A_165 = tpu.vector_load %arg6[%swap3A_163, %swap3A_164] {strides = array<i32>} : memref<64x400xi32, #tpu.memory_space<vmem>>, vector<16xi32>,
      tpu.vector_store %arg6[%swap3A_163, %swap3A_164], %gather3A_162 {strides = array<i32>} : memref<64x400xi32, #tpu.memory_space<vmem>>, vector<16xi32>,
      %add3A_166 = arith.constant 128 : i32
      %add3A_167 = vector.broadcast %add3A_166 : i32 to vector<16xi32>
      %add3A_168 = arith.addi %add3A_167, %iota3A : vector<16xi32>
      %div3A_169 = arith.constant 50 : i32
      %div3A_170 = vector.broadcast %div3A_169 : i32 to vector<16xi32>
      %div3A_171 = arith.divsi %add3A_168, %div3A_170 : vector<16xi32>
      %mul3A_172 = arith.constant 50 : i32
      %mul3A_173 = vector.broadcast %mul3A_172 : i32 to vector<16xi32>
      %mul3A_174 = arith.muli %div3A_171, %mul3A_173 : vector<16xi32>
      %sub3A_175 = arith.subi %add3A_168, %mul3A_174 : vector<16xi32>
      %add3A_176 = vector.broadcast %mul3A_41 : i32 to vector<16xi32>
      %add3A_177 = arith.addi %add3A_176, %div3A_171 : vector<16xi32>
      %gather3A_178 = tpu.vector_load_idx %arg5[%add3A_177, %sub3A_175] : memref<512x56xi32, #tpu.memory_space<vmem>>[vector<16xi32>, vector<16xi32>], vector<16xi32>,
      %swap3A_179 = arith.index_cast %scan3A_39 : i32 to index
      %swap3A_180 = arith.constant 128 : index
      %swap3A_181 = tpu.vector_load %arg6[%swap3A_179, %swap3A_180] {strides = array<i32>} : memref<64x400xi32, #tpu.memory_space<vmem>>, vector<16xi32>,
      tpu.vector_store %arg6[%swap3A_179, %swap3A_180], %gather3A_178 {strides = array<i32>} : memref<64x400xi32, #tpu.memory_space<vmem>>, vector<16xi32>,
      %add3A_182 = arith.constant 144 : i32
      %add3A_183 = vector.broadcast %add3A_182 : i32 to vector<16xi32>
      %add3A_184 = arith.addi %add3A_183, %iota3A : vector<16xi32>
      %div3A_185 = arith.constant 50 : i32
      %div3A_186 = vector.broadcast %div3A_185 : i32 to vector<16xi32>
      %div3A_187 = arith.divsi %add3A_184, %div3A_186 : vector<16xi32>
      %mul3A_188 = arith.constant 50 : i32
      %mul3A_189 = vector.broadcast %mul3A_188 : i32 to vector<16xi32>
      %mul3A_190 = arith.muli %div3A_187, %mul3A_189 : vector<16xi32>
      %sub3A_191 = arith.subi %add3A_184, %mul3A_190 : vector<16xi32>
      %add3A_192 = vector.broadcast %mul3A_41 : i32 to vector<16xi32>
      %add3A_193 = arith.addi %add3A_192, %div3A_187 : vector<16xi32>
      %gather3A_194 = tpu.vector_load_idx %arg5[%add3A_193, %sub3A_191] : memref<512x56xi32, #tpu.memory_space<vmem>>[vector<16xi32>, vector<16xi32>], vector<16xi32>,
      %swap3A_195 = arith.index_cast %scan3A_39 : i32 to index
      %swap3A_196 = arith.constant 144 : index
      %swap3A_197 = tpu.vector_load %arg6[%swap3A_195, %swap3A_196] {strides = array<i32>} : memref<64x400xi32, #tpu.memory_space<vmem>>, vector<16xi32>,
      tpu.vector_store %arg6[%swap3A_195, %swap3A_196], %gather3A_194 {strides = array<i32>} : memref<64x400xi32, #tpu.memory_space<vmem>>, vector<16xi32>,
      %add3A_198 = arith.constant 160 : i32
      %add3A_199 = vector.broadcast %add3A_198 : i32 to vector<16xi32>
      %add3A_200 = arith.addi %add3A_199, %iota3A : vector<16xi32>
      %div3A_201 = arith.constant 50 : i32
      %div3A_202 = vector.broadcast %div3A_201 : i32 to vector<16xi32>
      %div3A_203 = arith.divsi %add3A_200, %div3A_202 : vector<16xi32>
      %mul3A_204 = arith.constant 50 : i32
      %mul3A_205 = vector.broadcast %mul3A_204 : i32 to vector<16xi32>
      %mul3A_206 = arith.muli %div3A_203, %mul3A_205 : vector<16xi32>
      %sub3A_207 = arith.subi %add3A_200, %mul3A_206 : vector<16xi32>
      %add3A_208 = vector.broadcast %mul3A_41 : i32 to vector<16xi32>
      %add3A_209 = arith.addi %add3A_208, %div3A_203 : vector<16xi32>
      %gather3A_210 = tpu.vector_load_idx %arg5[%add3A_209, %sub3A_207] : memref<512x56xi32, #tpu.memory_space<vmem>>[vector<16xi32>, vector<16xi32>], vector<16xi32>,
      %swap3A_211 = arith.index_cast %scan3A_39 : i32 to index
      %swap3A_212 = arith.constant 160 : index
      %swap3A_213 = tpu.vector_load %arg6[%swap3A_211, %swap3A_212] {strides = array<i32>} : memref<64x400xi32, #tpu.memory_space<vmem>>, vector<16xi32>,
      tpu.vector_store %arg6[%swap3A_211, %swap3A_212], %gather3A_210 {strides = array<i32>} : memref<64x400xi32, #tpu.memory_space<vmem>>, vector<16xi32>,
      %add3A_214 = arith.constant 176 : i32
      %add3A_215 = vector.broadcast %add3A_214 : i32 to vector<16xi32>
      %add3A_216 = arith.addi %add3A_215, %iota3A : vector<16xi32>
      %div3A_217 = arith.constant 50 : i32
      %div3A_218 = vector.broadcast %div3A_217 : i32 to vector<16xi32>
      %div3A_219 = arith.divsi %add3A_216, %div3A_218 : vector<16xi32>
      %mul3A_220 = arith.constant 50 : i32
      %mul3A_221 = vector.broadcast %mul3A_220 : i32 to vector<16xi32>
      %mul3A_222 = arith.muli %div3A_219, %mul3A_221 : vector<16xi32>
      %sub3A_223 = arith.subi %add3A_216, %mul3A_222 : vector<16xi32>
      %add3A_224 = vector.broadcast %mul3A_41 : i32 to vector<16xi32>
      %add3A_225 = arith.addi %add3A_224, %div3A_219 : vector<16xi32>
      %gather3A_226 = tpu.vector_load_idx %arg5[%add3A_225, %sub3A_223] : memref<512x56xi32, #tpu.memory_space<vmem>>[vector<16xi32>, vector<16xi32>], vector<16xi32>,
      %swap3A_227 = arith.index_cast %scan3A_39 : i32 to index
      %swap3A_228 = arith.constant 176 : index
      %swap3A_229 = tpu.vector_load %arg6[%swap3A_227, %swap3A_228] {strides = array<i32>} : memref<64x400xi32, #tpu.memory_space<vmem>>, vector<16xi32>,
      tpu.vector_store %arg6[%swap3A_227, %swap3A_228], %gather3A_226 {strides = array<i32>} : memref<64x400xi32, #tpu.memory_space<vmem>>, vector<16xi32>,
      %add3A_230 = arith.constant 192 : i32
      %add3A_231 = vector.broadcast %add3A_230 : i32 to vector<16xi32>
      %add3A_232 = arith.addi %add3A_231, %iota3A : vector<16xi32>
      %div3A_233 = arith.constant 50 : i32
      %div3A_234 = vector.broadcast %div3A_233 : i32 to vector<16xi32>
      %div3A_235 = arith.divsi %add3A_232, %div3A_234 : vector<16xi32>
      %mul3A_236 = arith.constant 50 : i32
      %mul3A_237 = vector.broadcast %mul3A_236 : i32 to vector<16xi32>
      %mul3A_238 = arith.muli %div3A_235, %mul3A_237 : vector<16xi32>
      %sub3A_239 = arith.subi %add3A_232, %mul3A_238 : vector<16xi32>
      %add3A_240 = vector.broadcast %mul3A_41 : i32 to vector<16xi32>
      %add3A_241 = arith.addi %add3A_240, %div3A_235 : vector<16xi32>
      %gather3A_242 = tpu.vector_load_idx %arg5[%add3A_241, %sub3A_239] : memref<512x56xi32, #tpu.memory_space<vmem>>[vector<16xi32>, vector<16xi32>], vector<16xi32>,
      %swap3A_243 = arith.index_cast %scan3A_39 : i32 to index
      %swap3A_244 = arith.constant 192 : index
      %swap3A_245 = tpu.vector_load %arg6[%swap3A_243, %swap3A_244] {strides = array<i32>} : memref<64x400xi32, #tpu.memory_space<vmem>>, vector<16xi32>,
      tpu.vector_store %arg6[%swap3A_243, %swap3A_244], %gather3A_242 {strides = array<i32>} : memref<64x400xi32, #tpu.memory_space<vmem>>, vector<16xi32>,
      %add3A_246 = arith.constant 208 : i32
      %add3A_247 = vector.broadcast %add3A_246 : i32 to vector<16xi32>
      %add3A_248 = arith.addi %add3A_247, %iota3A : vector<16xi32>
      %div3A_249 = arith.constant 50 : i32
      %div3A_250 = vector.broadcast %div3A_249 : i32 to vector<16xi32>
      %div3A_251 = arith.divsi %add3A_248, %div3A_250 : vector<16xi32>
      %mul3A_252 = arith.constant 50 : i32
      %mul3A_253 = vector.broadcast %mul3A_252 : i32 to vector<16xi32>
      %mul3A_254 = arith.muli %div3A_251, %mul3A_253 : vector<16xi32>
      %sub3A_255 = arith.subi %add3A_248, %mul3A_254 : vector<16xi32>
      %add3A_256 = vector.broadcast %mul3A_41 : i32 to vector<16xi32>
      %add3A_257 = arith.addi %add3A_256, %div3A_251 : vector<16xi32>
      %gather3A_258 = tpu.vector_load_idx %arg5[%add3A_257, %sub3A_255] : memref<512x56xi32, #tpu.memory_space<vmem>>[vector<16xi32>, vector<16xi32>], vector<16xi32>,
      %swap3A_259 = arith.index_cast %scan3A_39 : i32 to index
      %swap3A_260 = arith.constant 208 : index
      %swap3A_261 = tpu.vector_load %arg6[%swap3A_259, %swap3A_260] {strides = array<i32>} : memref<64x400xi32, #tpu.memory_space<vmem>>, vector<16xi32>,
      tpu.vector_store %arg6[%swap3A_259, %swap3A_260], %gather3A_258 {strides = array<i32>} : memref<64x400xi32, #tpu.memory_space<vmem>>, vector<16xi32>,
      %add3A_262 = arith.constant 224 : i32
      %add3A_263 = vector.broadcast %add3A_262 : i32 to vector<16xi32>
      %add3A_264 = arith.addi %add3A_263, %iota3A : vector<16xi32>
      %div3A_265 = arith.constant 50 : i32
      %div3A_266 = vector.broadcast %div3A_265 : i32 to vector<16xi32>
      %div3A_267 = arith.divsi %add3A_264, %div3A_266 : vector<16xi32>
      %mul3A_268 = arith.constant 50 : i32
      %mul3A_269 = vector.broadcast %mul3A_268 : i32 to vector<16xi32>
      %mul3A_270 = arith.muli %div3A_267, %mul3A_269 : vector<16xi32>
      %sub3A_271 = arith.subi %add3A_264, %mul3A_270 : vector<16xi32>
      %add3A_272 = vector.broadcast %mul3A_41 : i32 to vector<16xi32>
      %add3A_273 = arith.addi %add3A_272, %div3A_267 : vector<16xi32>
      %gather3A_274 = tpu.vector_load_idx %arg5[%add3A_273, %sub3A_271] : memref<512x56xi32, #tpu.memory_space<vmem>>[vector<16xi32>, vector<16xi32>], vector<16xi32>,
      %swap3A_275 = arith.index_cast %scan3A_39 : i32 to index
      %swap3A_276 = arith.constant 224 : index
      %swap3A_277 = tpu.vector_load %arg6[%swap3A_275, %swap3A_276] {strides = array<i32>} : memref<64x400xi32, #tpu.memory_space<vmem>>, vector<16xi32>,
      tpu.vector_store %arg6[%swap3A_275, %swap3A_276], %gather3A_274 {strides = array<i32>} : memref<64x400xi32, #tpu.memory_space<vmem>>, vector<16xi32>,
      %add3A_278 = arith.constant 240 : i32
      %add3A_279 = vector.broadcast %add3A_278 : i32 to vector<16xi32>
      %add3A_280 = arith.addi %add3A_279, %iota3A : vector<16xi32>
      %div3A_281 = arith.constant 50 : i32
      %div3A_282 = vector.broadcast %div3A_281 : i32 to vector<16xi32>
      %div3A_283 = arith.divsi %add3A_280, %div3A_282 : vector<16xi32>
      %mul3A_284 = arith.constant 50 : i32
      %mul3A_285 = vector.broadcast %mul3A_284 : i32 to vector<16xi32>
      %mul3A_286 = arith.muli %div3A_283, %mul3A_285 : vector<16xi32>
      %sub3A_287 = arith.subi %add3A_280, %mul3A_286 : vector<16xi32>
      %add3A_288 = vector.broadcast %mul3A_41 : i32 to vector<16xi32>
      %add3A_289 = arith.addi %add3A_288, %div3A_283 : vector<16xi32>
      %gather3A_290 = tpu.vector_load_idx %arg5[%add3A_289, %sub3A_287] : memref<512x56xi32, #tpu.memory_space<vmem>>[vector<16xi32>, vector<16xi32>], vector<16xi32>,
      %swap3A_291 = arith.index_cast %scan3A_39 : i32 to index
      %swap3A_292 = arith.constant 240 : index
      %swap3A_293 = tpu.vector_load %arg6[%swap3A_291, %swap3A_292] {strides = array<i32>} : memref<64x400xi32, #tpu.memory_space<vmem>>, vector<16xi32>,
      tpu.vector_store %arg6[%swap3A_291, %swap3A_292], %gather3A_290 {strides = array<i32>} : memref<64x400xi32, #tpu.memory_space<vmem>>, vector<16xi32>,
      %add3A_294 = arith.constant 256 : i32
      %add3A_295 = vector.broadcast %add3A_294 : i32 to vector<16xi32>
      %add3A_296 = arith.addi %add3A_295, %iota3A : vector<16xi32>
      %div3A_297 = arith.constant 50 : i32
      %div3A_298 = vector.broadcast %div3A_297 : i32 to vector<16xi32>
      %div3A_299 = arith.divsi %add3A_296, %div3A_298 : vector<16xi32>
      %mul3A_300 = arith.constant 50 : i32
      %mul3A_301 = vector.broadcast %mul3A_300 : i32 to vector<16xi32>
      %mul3A_302 = arith.muli %div3A_299, %mul3A_301 : vector<16xi32>
      %sub3A_303 = arith.subi %add3A_296, %mul3A_302 : vector<16xi32>
      %add3A_304 = vector.broadcast %mul3A_41 : i32 to vector<16xi32>
      %add3A_305 = arith.addi %add3A_304, %div3A_299 : vector<16xi32>
      %gather3A_306 = tpu.vector_load_idx %arg5[%add3A_305, %sub3A_303] : memref<512x56xi32, #tpu.memory_space<vmem>>[vector<16xi32>, vector<16xi32>], vector<16xi32>,
      %swap3A_307 = arith.index_cast %scan3A_39 : i32 to index
      %swap3A_308 = arith.constant 256 : index
      %swap3A_309 = tpu.vector_load %arg6[%swap3A_307, %swap3A_308] {strides = array<i32>} : memref<64x400xi32, #tpu.memory_space<vmem>>, vector<16xi32>,
      tpu.vector_store %arg6[%swap3A_307, %swap3A_308], %gather3A_306 {strides = array<i32>} : memref<64x400xi32, #tpu.memory_space<vmem>>, vector<16xi32>,
      %add3A_310 = arith.constant 272 : i32
      %add3A_311 = vector.broadcast %add3A_310 : i32 to vector<16xi32>
      %add3A_312 = arith.addi %add3A_311, %iota3A : vector<16xi32>
      %div3A_313 = arith.constant 50 : i32
      %div3A_314 = vector.broadcast %div3A_313 : i32 to vector<16xi32>
      %div3A_315 = arith.divsi %add3A_312, %div3A_314 : vector<16xi32>
      %mul3A_316 = arith.constant 50 : i32
      %mul3A_317 = vector.broadcast %mul3A_316 : i32 to vector<16xi32>
      %mul3A_318 = arith.muli %div3A_315, %mul3A_317 : vector<16xi32>
      %sub3A_319 = arith.subi %add3A_312, %mul3A_318 : vector<16xi32>
      %add3A_320 = vector.broadcast %mul3A_41 : i32 to vector<16xi32>
      %add3A_321 = arith.addi %add3A_320, %div3A_315 : vector<16xi32>
      %gather3A_322 = tpu.vector_load_idx %arg5[%add3A_321, %sub3A_319] : memref<512x56xi32, #tpu.memory_space<vmem>>[vector<16xi32>, vector<16xi32>], vector<16xi32>,
      %swap3A_323 = arith.index_cast %scan3A_39 : i32 to index
      %swap3A_324 = arith.constant 272 : index
      %swap3A_325 = tpu.vector_load %arg6[%swap3A_323, %swap3A_324] {strides = array<i32>} : memref<64x400xi32, #tpu.memory_space<vmem>>, vector<16xi32>,
      tpu.vector_store %arg6[%swap3A_323, %swap3A_324], %gather3A_322 {strides = array<i32>} : memref<64x400xi32, #tpu.memory_space<vmem>>, vector<16xi32>,
      %add3A_326 = arith.constant 288 : i32
      %add3A_327 = vector.broadcast %add3A_326 : i32 to vector<16xi32>
      %add3A_328 = arith.addi %add3A_327, %iota3A : vector<16xi32>
      %div3A_329 = arith.constant 50 : i32
      %div3A_330 = vector.broadcast %div3A_329 : i32 to vector<16xi32>
      %div3A_331 = arith.divsi %add3A_328, %div3A_330 : vector<16xi32>
      %mul3A_332 = arith.constant 50 : i32
      %mul3A_333 = vector.broadcast %mul3A_332 : i32 to vector<16xi32>
      %mul3A_334 = arith.muli %div3A_331, %mul3A_333 : vector<16xi32>
      %sub3A_335 = arith.subi %add3A_328, %mul3A_334 : vector<16xi32>
      %add3A_336 = vector.broadcast %mul3A_41 : i32 to vector<16xi32>
      %add3A_337 = arith.addi %add3A_336, %div3A_331 : vector<16xi32>
      %gather3A_338 = tpu.vector_load_idx %arg5[%add3A_337, %sub3A_335] : memref<512x56xi32, #tpu.memory_space<vmem>>[vector<16xi32>, vector<16xi32>], vector<16xi32>,
      %swap3A_339 = arith.index_cast %scan3A_39 : i32 to index
      %swap3A_340 = arith.constant 288 : index
      %swap3A_341 = tpu.vector_load %arg6[%swap3A_339, %swap3A_340] {strides = array<i32>} : memref<64x400xi32, #tpu.memory_space<vmem>>, vector<16xi32>,
      tpu.vector_store %arg6[%swap3A_339, %swap3A_340], %gather3A_338 {strides = array<i32>} : memref<64x400xi32, #tpu.memory_space<vmem>>, vector<16xi32>,
      %add3A_342 = arith.constant 304 : i32
      %add3A_343 = vector.broadcast %add3A_342 : i32 to vector<16xi32>
      %add3A_344 = arith.addi %add3A_343, %iota3A : vector<16xi32>
      %div3A_345 = arith.constant 50 : i32
      %div3A_346 = vector.broadcast %div3A_345 : i32 to vector<16xi32>
      %div3A_347 = arith.divsi %add3A_344, %div3A_346 : vector<16xi32>
      %mul3A_348 = arith.constant 50 : i32
      %mul3A_349 = vector.broadcast %mul3A_348 : i32 to vector<16xi32>
      %mul3A_350 = arith.muli %div3A_347, %mul3A_349 : vector<16xi32>
      %sub3A_351 = arith.subi %add3A_344, %mul3A_350 : vector<16xi32>
      %add3A_352 = vector.broadcast %mul3A_41 : i32 to vector<16xi32>
      %add3A_353 = arith.addi %add3A_352, %div3A_347 : vector<16xi32>
      %gather3A_354 = tpu.vector_load_idx %arg5[%add3A_353, %sub3A_351] : memref<512x56xi32, #tpu.memory_space<vmem>>[vector<16xi32>, vector<16xi32>], vector<16xi32>,
      %swap3A_355 = arith.index_cast %scan3A_39 : i32 to index
      %swap3A_356 = arith.constant 304 : index
      %swap3A_357 = tpu.vector_load %arg6[%swap3A_355, %swap3A_356] {strides = array<i32>} : memref<64x400xi32, #tpu.memory_space<vmem>>, vector<16xi32>,
      tpu.vector_store %arg6[%swap3A_355, %swap3A_356], %gather3A_354 {strides = array<i32>} : memref<64x400xi32, #tpu.memory_space<vmem>>, vector<16xi32>,
      %add3A_358 = arith.constant 320 : i32
      %add3A_359 = vector.broadcast %add3A_358 : i32 to vector<16xi32>
      %add3A_360 = arith.addi %add3A_359, %iota3A : vector<16xi32>
      %div3A_361 = arith.constant 50 : i32
      %div3A_362 = vector.broadcast %div3A_361 : i32 to vector<16xi32>
      %div3A_363 = arith.divsi %add3A_360, %div3A_362 : vector<16xi32>
      %mul3A_364 = arith.constant 50 : i32
      %mul3A_365 = vector.broadcast %mul3A_364 : i32 to vector<16xi32>
      %mul3A_366 = arith.muli %div3A_363, %mul3A_365 : vector<16xi32>
      %sub3A_367 = arith.subi %add3A_360, %mul3A_366 : vector<16xi32>
      %add3A_368 = vector.broadcast %mul3A_41 : i32 to vector<16xi32>
      %add3A_369 = arith.addi %add3A_368, %div3A_363 : vector<16xi32>
      %gather3A_370 = tpu.vector_load_idx %arg5[%add3A_369, %sub3A_367] : memref<512x56xi32, #tpu.memory_space<vmem>>[vector<16xi32>, vector<16xi32>], vector<16xi32>,
      %swap3A_371 = arith.index_cast %scan3A_39 : i32 to index
      %swap3A_372 = arith.constant 320 : index
      %swap3A_373 = tpu.vector_load %arg6[%swap3A_371, %swap3A_372] {strides = array<i32>} : memref<64x400xi32, #tpu.memory_space<vmem>>, vector<16xi32>,
      tpu.vector_store %arg6[%swap3A_371, %swap3A_372], %gather3A_370 {strides = array<i32>} : memref<64x400xi32, #tpu.memory_space<vmem>>, vector<16xi32>,
      %add3A_374 = arith.constant 336 : i32
      %add3A_375 = vector.broadcast %add3A_374 : i32 to vector<16xi32>
      %add3A_376 = arith.addi %add3A_375, %iota3A : vector<16xi32>
      %div3A_377 = arith.constant 50 : i32
      %div3A_378 = vector.broadcast %div3A_377 : i32 to vector<16xi32>
      %div3A_379 = arith.divsi %add3A_376, %div3A_378 : vector<16xi32>
      %mul3A_380 = arith.constant 50 : i32
      %mul3A_381 = vector.broadcast %mul3A_380 : i32 to vector<16xi32>
      %mul3A_382 = arith.muli %div3A_379, %mul3A_381 : vector<16xi32>
      %sub3A_383 = arith.subi %add3A_376, %mul3A_382 : vector<16xi32>
      %add3A_384 = vector.broadcast %mul3A_41 : i32 to vector<16xi32>
      %add3A_385 = arith.addi %add3A_384, %div3A_379 : vector<16xi32>
      %gather3A_386 = tpu.vector_load_idx %arg5[%add3A_385, %sub3A_383] : memref<512x56xi32, #tpu.memory_space<vmem>>[vector<16xi32>, vector<16xi32>], vector<16xi32>,
      %swap3A_387 = arith.index_cast %scan3A_39 : i32 to index
      %swap3A_388 = arith.constant 336 : index
      %swap3A_389 = tpu.vector_load %arg6[%swap3A_387, %swap3A_388] {strides = array<i32>} : memref<64x400xi32, #tpu.memory_space<vmem>>, vector<16xi32>,
      tpu.vector_store %arg6[%swap3A_387, %swap3A_388], %gather3A_386 {strides = array<i32>} : memref<64x400xi32, #tpu.memory_space<vmem>>, vector<16xi32>,
      %add3A_390 = arith.constant 352 : i32
      %add3A_391 = vector.broadcast %add3A_390 : i32 to vector<16xi32>
      %add3A_392 = arith.addi %add3A_391, %iota3A : vector<16xi32>
      %div3A_393 = arith.constant 50 : i32
      %div3A_394 = vector.broadcast %div3A_393 : i32 to vector<16xi32>
      %div3A_395 = arith.divsi %add3A_392, %div3A_394 : vector<16xi32>
      %mul3A_396 = arith.constant 50 : i32
      %mul3A_397 = vector.broadcast %mul3A_396 : i32 to vector<16xi32>
      %mul3A_398 = arith.muli %div3A_395, %mul3A_397 : vector<16xi32>
      %sub3A_399 = arith.subi %add3A_392, %mul3A_398 : vector<16xi32>
      %add3A_400 = vector.broadcast %mul3A_41 : i32 to vector<16xi32>
      %add3A_401 = arith.addi %add3A_400, %div3A_395 : vector<16xi32>
      %gather3A_402 = tpu.vector_load_idx %arg5[%add3A_401, %sub3A_399] : memref<512x56xi32, #tpu.memory_space<vmem>>[vector<16xi32>, vector<16xi32>], vector<16xi32>,
      %swap3A_403 = arith.index_cast %scan3A_39 : i32 to index
      %swap3A_404 = arith.constant 352 : index
      %swap3A_405 = tpu.vector_load %arg6[%swap3A_403, %swap3A_404] {strides = array<i32>} : memref<64x400xi32, #tpu.memory_space<vmem>>, vector<16xi32>,
      tpu.vector_store %arg6[%swap3A_403, %swap3A_404], %gather3A_402 {strides = array<i32>} : memref<64x400xi32, #tpu.memory_space<vmem>>, vector<16xi32>,
      %add3A_406 = arith.constant 368 : i32
      %add3A_407 = vector.broadcast %add3A_406 : i32 to vector<16xi32>
      %add3A_408 = arith.addi %add3A_407, %iota3A : vector<16xi32>
      %div3A_409 = arith.constant 50 : i32
      %div3A_410 = vector.broadcast %div3A_409 : i32 to vector<16xi32>
      %div3A_411 = arith.divsi %add3A_408, %div3A_410 : vector<16xi32>
      %mul3A_412 = arith.constant 50 : i32
      %mul3A_413 = vector.broadcast %mul3A_412 : i32 to vector<16xi32>
      %mul3A_414 = arith.muli %div3A_411, %mul3A_413 : vector<16xi32>
      %sub3A_415 = arith.subi %add3A_408, %mul3A_414 : vector<16xi32>
      %add3A_416 = vector.broadcast %mul3A_41 : i32 to vector<16xi32>
      %add3A_417 = arith.addi %add3A_416, %div3A_411 : vector<16xi32>
      %gather3A_418 = tpu.vector_load_idx %arg5[%add3A_417, %sub3A_415] : memref<512x56xi32, #tpu.memory_space<vmem>>[vector<16xi32>, vector<16xi32>], vector<16xi32>,
      %swap3A_419 = arith.index_cast %scan3A_39 : i32 to index
      %swap3A_420 = arith.constant 368 : index
      %swap3A_421 = tpu.vector_load %arg6[%swap3A_419, %swap3A_420] {strides = array<i32>} : memref<64x400xi32, #tpu.memory_space<vmem>>, vector<16xi32>,
      tpu.vector_store %arg6[%swap3A_419, %swap3A_420], %gather3A_418 {strides = array<i32>} : memref<64x400xi32, #tpu.memory_space<vmem>>, vector<16xi32>,
      %add3A_422 = arith.constant 384 : i32
      %add3A_423 = vector.broadcast %add3A_422 : i32 to vector<16xi32>
      %add3A_424 = arith.addi %add3A_423, %iota3A : vector<16xi32>
      %div3A_425 = arith.constant 50 : i32
      %div3A_426 = vector.broadcast %div3A_425 : i32 to vector<16xi32>
      %div3A_427 = arith.divsi %add3A_424, %div3A_426 : vector<16xi32>
      %mul3A_428 = arith.constant 50 : i32
      %mul3A_429 = vector.broadcast %mul3A_428 : i32 to vector<16xi32>
      %mul3A_430 = arith.muli %div3A_427, %mul3A_429 : vector<16xi32>
      %sub3A_431 = arith.subi %add3A_424, %mul3A_430 : vector<16xi32>
      %add3A_432 = vector.broadcast %mul3A_41 : i32 to vector<16xi32>
      %add3A_433 = arith.addi %add3A_432, %div3A_427 : vector<16xi32>
      %gather3A_434 = tpu.vector_load_idx %arg5[%add3A_433, %sub3A_431] : memref<512x56xi32, #tpu.memory_space<vmem>>[vector<16xi32>, vector<16xi32>], vector<16xi32>,
      %swap3A_435 = arith.index_cast %scan3A_39 : i32 to index
      %swap3A_436 = arith.constant 384 : index
      %swap3A_437 = tpu.vector_load %arg6[%swap3A_435, %swap3A_436] {strides = array<i32>} : memref<64x400xi32, #tpu.memory_space<vmem>>, vector<16xi32>,
      tpu.vector_store %arg6[%swap3A_435, %swap3A_436], %gather3A_434 {strides = array<i32>} : memref<64x400xi32, #tpu.memory_space<vmem>>, vector<16xi32>,
    }
    %scan3A_7 = arith.constant 64 : i32
    %dma_start3A = arith.constant 0 : i32
    %dma_start3A_8 = arith.constant 0 : i32
    %dma_start3A_9 = tpu.memref_slice %arg6[%dma_start3A, %dma_start3A_8] : memref<64x400xi32, #tpu.memory_space<vmem>> -> memref<1x400xi32, #tpu.memory_space<vmem>>
    %dma_start3A_10 = tpu.memref_squeeze %dma_start3A_9 : memref<1x400xi32, #tpu.memory_space<vmem>> -> memref<400xi32, #tpu.memory_space<vmem>>
    %dma_start3A_11 = arith.constant 0 : i32
    %dma_start3A_12 = arith.constant 0 : i32
    %dma_start3A_13 = tpu.memref_slice %arg3[%dma_start3A_11, %dma_start3A_12] : memref<1000004x32xf32, #tpu.memory_space<hbm>> -> memref<1000004x32xf32, #tpu.memory_space<hbm>>
    tpu.enqueue_indirect_dma source(%dma_start3A_13 : memref<1000004x32xf32, #tpu.memory_space<hbm>>) target(%arg7 : memref<400x32xf32, #tpu.memory_space<vmem>>) offsets(%dma_start3A_10 : memref<400xi32, #tpu.memory_space<vmem>>) semaphore(%arg11 : memref<!tpu.dma_semaphore, #tpu.memory_space<semaphore_mem>>)
    %dma_start3A_14 = arith.constant 1 : i32
    %dma_start3A_15 = arith.constant 0 : i32
    %dma_start3A_16 = tpu.memref_slice %arg6[%dma_start3A_14, %dma_start3A_15] : memref<64x400xi32, #tpu.memory_space<vmem>> -> memref<1x400xi32, #tpu.memory_space<vmem>>
    %dma_start3A_17 = tpu.memref_squeeze %dma_start3A_16 : memref<1x400xi32, #tpu.memory_space<vmem>> -> memref<400xi32, #tpu.memory_space<vmem>>
    %dma_start3A_18 = arith.constant 0 : i32
    %dma_start3A_19 = arith.constant 0 : i32
    %dma_start3A_20 = tpu.memref_slice %arg3[%dma_start3A_18, %dma_start3A_19] : memref<1000004x32xf32, #tpu.memory_space<hbm>> -> memref<1000004x32xf32, #tpu.memory_space<hbm>>
    tpu.enqueue_indirect_dma source(%dma_start3A_20 : memref<1000004x32xf32, #tpu.memory_space<hbm>>) target(%arg8 : memref<400x32xf32, #tpu.memory_space<vmem>>) offsets(%dma_start3A_17 : memref<400xi32, #tpu.memory_space<vmem>>) semaphore(%arg12 : memref<!tpu.dma_semaphore, #tpu.memory_space<semaphore_mem>>)
    %dma_start3A_21 = arith.constant 2 : i32
    %dma_start3A_22 = arith.constant 0 : i32
    %dma_start3A_23 = tpu.memref_slice %arg6[%dma_start3A_21, %dma_start3A_22] : memref<64x400xi32, #tpu.memory_space<vmem>> -> memref<1x400xi32, #tpu.memory_space<vmem>>
    %dma_start3A_24 = tpu.memref_squeeze %dma_start3A_23 : memref<1x400xi32, #tpu.memory_space<vmem>> -> memref<400xi32, #tpu.memory_space<vmem>>
    %dma_start3A_25 = arith.constant 0 : i32
    %dma_start3A_26 = arith.constant 0 : i32
    %dma_start3A_27 = tpu.memref_slice %arg3[%dma_start3A_25, %dma_start3A_26] : memref<1000004x32xf32, #tpu.memory_space<hbm>> -> memref<1000004x32xf32, #tpu.memory_space<hbm>>
    tpu.enqueue_indirect_dma source(%dma_start3A_27 : memref<1000004x32xf32, #tpu.memory_space<hbm>>) target(%arg9 : memref<400x32xf32, #tpu.memory_space<vmem>>) offsets(%dma_start3A_24 : memref<400xi32, #tpu.memory_space<vmem>>) semaphore(%arg13 : memref<!tpu.dma_semaphore, #tpu.memory_space<semaphore_mem>>)
    %scan3A_28 = arith.constant 0 : i32
    %scan3A_29 = arith.constant 0 : i32
    %scan3A_30 = arith.constant 16 : i32
    %scan3A_31 = arith.addi %scan3A_29, %scan3A_30 : i32
    %scan3A_32 = arith.constant 1 : i32
    scf.for %scan3A_39 = %scan3A_29 to %scan3A_31 step %scan3A_32  : i32 {
      %mul3A_40 = arith.constant 4 : i32
      %mul3A_41 = arith.muli %scan3A_39, %mul3A_40 : i32
      %add3A_42 = arith.constant 0 : i32
      %add3A_43 = arith.addi %mul3A_41, %add3A_42 : i32
      %dma_wait3A_44 = arith.constant 0 : i32
      %dma_wait3A_45 = arith.constant 0 : i32
      %dma_wait3A_46 = tpu.memref_slice %arg3[%dma_wait3A_44, %dma_wait3A_45] : memref<1000004x32xf32, #tpu.memory_space<hbm>> -> memref<400x32xf32, #tpu.memory_space<hbm>>
      %dma_wait3A_47 = arith.constant 0 : i32
      %dma_wait3A_48 = arith.constant 0 : i32
      %dma_wait3A_49 = tpu.memref_slice %arg3[%dma_wait3A_47, %dma_wait3A_48] : memref<1000004x32xf32, #tpu.memory_space<hbm>> -> memref<400x32xf32, #tpu.memory_space<hbm>>
      tpu.wait_dma2 semaphore(%arg11 : memref<!tpu.dma_semaphore, #tpu.memory_space<semaphore_mem>>) src(%dma_wait3A_49 : memref<400x32xf32, #tpu.memory_space<hbm>>) dst(%arg7 : memref<400x32xf32, #tpu.memory_space<vmem>>)
      %mul3A_50 = arith.constant 8 : i32
      %mul3A_51 = arith.muli %add3A_43, %mul3A_50 : i32
      %add3A_52 = arith.addi %mul3A_2, %mul3A_51 : i32
      %add3A_53 = arith.constant 0 : i32
      %add3A_54 = arith.addi %add3A_52, %add3A_53 : i32
      %dma_start3A_55 = arith.constant 0 : i32
      %dma_start3A_56 = arith.constant 0 : i32
      %dma_start3A_57 = tpu.memref_slice %arg7[%dma_start3A_55, %dma_start3A_56] : memref<400x32xf32, #tpu.memory_space<vmem>> -> memref<50x32xf32, #tpu.memory_space<vmem>>
      %dma_start3A_58 = arith.constant 0 : i32
      %dma_start3A_59 = arith.constant 0 : i32
      %dma_start3A_60 = tpu.memref_slice %arg4[%add3A_54, %dma_start3A_58, %dma_start3A_59] : memref<16384x56x128xf32, #tpu.memory_space<hbm>> -> memref<1x50x32xf32, #tpu.memory_space<hbm>>
      %dma_start3A_61 = tpu.memref_squeeze %dma_start3A_60 : memref<1x50x32xf32, #tpu.memory_space<hbm>> -> memref<50x32xf32, #tpu.memory_space<hbm>>
      %dma_start3A_62 = arith.constant 0 : i32
      %dma_start3A_63 = arith.constant 0 : i32
      %dma_start3A_64 = tpu.memref_slice %arg4[%add3A_54, %dma_start3A_62, %dma_start3A_63] : memref<16384x56x128xf32, #tpu.memory_space<hbm>> -> memref<1x50x32xf32, #tpu.memory_space<hbm>>
      %dma_start3A_65 = tpu.memref_squeeze %dma_start3A_64 : memref<1x50x32xf32, #tpu.memory_space<hbm>> -> memref<50x32xf32, #tpu.memory_space<hbm>>
      %dma_start3A_66 = arith.constant 0 : i32
      %dma_start3A_67 = arith.constant 0 : i32
      %dma_start3A_68 = tpu.memref_slice %arg7[%dma_start3A_66, %dma_start3A_67] : memref<400x32xf32, #tpu.memory_space<vmem>> -> memref<50x32xf32, #tpu.memory_space<vmem>>
      tpu.enqueue_dma source(%dma_start3A_68 : memref<50x32xf32, #tpu.memory_space<vmem>>) target(%dma_start3A_65 : memref<50x32xf32, #tpu.memory_space<hbm>>) target_semaphore(%arg15 : memref<!tpu.dma_semaphore, #tpu.memory_space<semaphore_mem>>)
      %mul3A_69 = arith.constant 8 : i32
      %mul3A_70 = arith.muli %add3A_43, %mul3A_69 : i32
      %add3A_71 = arith.addi %mul3A_2, %mul3A_70 : i32
      %add3A_72 = arith.constant 1 : i32
      %add3A_73 = arith.addi %add3A_71, %add3A_72 : i32
      %dma_start3A_74 = arith.constant 50 : i32
      %dma_start3A_75 = arith.constant 0 : i32
      %dma_start3A_76 = tpu.memref_slice %arg7[%dma_start3A_74, %dma_start3A_75] : memref<400x32xf32, #tpu.memory_space<vmem>> -> memref<50x32xf32, #tpu.memory_space<vmem>>
      %dma_start3A_77 = arith.constant 0 : i32
      %dma_start3A_78 = arith.constant 0 : i32
      %dma_start3A_79 = tpu.memref_slice %arg4[%add3A_73, %dma_start3A_77, %dma_start3A_78] : memref<16384x56x128xf32, #tpu.memory_space<hbm>> -> memref<1x50x32xf32, #tpu.memory_space<hbm>>
      %dma_start3A_80 = tpu.memref_squeeze %dma_start3A_79 : memref<1x50x32xf32, #tpu.memory_space<hbm>> -> memref<50x32xf32, #tpu.memory_space<hbm>>
      %dma_start3A_81 = arith.constant 0 : i32
      %dma_start3A_82 = arith.constant 0 : i32
      %dma_start3A_83 = tpu.memref_slice %arg4[%add3A_73, %dma_start3A_81, %dma_start3A_82] : memref<16384x56x128xf32, #tpu.memory_space<hbm>> -> memref<1x50x32xf32, #tpu.memory_space<hbm>>
      %dma_start3A_84 = tpu.memref_squeeze %dma_start3A_83 : memref<1x50x32xf32, #tpu.memory_space<hbm>> -> memref<50x32xf32, #tpu.memory_space<hbm>>
      %dma_start3A_85 = arith.constant 50 : i32
      %dma_start3A_86 = arith.constant 0 : i32
      %dma_start3A_87 = tpu.memref_slice %arg7[%dma_start3A_85, %dma_start3A_86] : memref<400x32xf32, #tpu.memory_space<vmem>> -> memref<50x32xf32, #tpu.memory_space<vmem>>
      tpu.enqueue_dma source(%dma_start3A_87 : memref<50x32xf32, #tpu.memory_space<vmem>>) target(%dma_start3A_84 : memref<50x32xf32, #tpu.memory_space<hbm>>) target_semaphore(%arg15 : memref<!tpu.dma_semaphore, #tpu.memory_space<semaphore_mem>>)
      %mul3A_88 = arith.constant 8 : i32
      %mul3A_89 = arith.muli %add3A_43, %mul3A_88 : i32
      %add3A_90 = arith.addi %mul3A_2, %mul3A_89 : i32
      %add3A_91 = arith.constant 2 : i32
      %add3A_92 = arith.addi %add3A_90, %add3A_91 : i32
      %dma_start3A_93 = arith.constant 100 : i32
      %dma_start3A_94 = arith.constant 0 : i32
      %dma_start3A_95 = tpu.memref_slice %arg7[%dma_start3A_93, %dma_start3A_94] : memref<400x32xf32, #tpu.memory_space<vmem>> -> memref<50x32xf32, #tpu.memory_space<vmem>>
      %dma_start3A_96 = arith.constant 0 : i32
      %dma_start3A_97 = arith.constant 0 : i32
      %dma_start3A_98 = tpu.memref_slice %arg4[%add3A_92, %dma_start3A_96, %dma_start3A_97] : memref<16384x56x128xf32, #tpu.memory_space<hbm>> -> memref<1x50x32xf32, #tpu.memory_space<hbm>>
      %dma_start3A_99 = tpu.memref_squeeze %dma_start3A_98 : memref<1x50x32xf32, #tpu.memory_space<hbm>> -> memref<50x32xf32, #tpu.memory_space<hbm>>
      %dma_start3A_100 = arith.constant 0 : i32
      %dma_start3A_101 = arith.constant 0 : i32
      %dma_start3A_102 = tpu.memref_slice %arg4[%add3A_92, %dma_start3A_100, %dma_start3A_101] : memref<16384x56x128xf32, #tpu.memory_space<hbm>> -> memref<1x50x32xf32, #tpu.memory_space<hbm>>
      %dma_start3A_103 = tpu.memref_squeeze %dma_start3A_102 : memref<1x50x32xf32, #tpu.memory_space<hbm>> -> memref<50x32xf32, #tpu.memory_space<hbm>>
      %dma_start3A_104 = arith.constant 100 : i32
      %dma_start3A_105 = arith.constant 0 : i32
      %dma_start3A_106 = tpu.memref_slice %arg7[%dma_start3A_104, %dma_start3A_105] : memref<400x32xf32, #tpu.memory_space<vmem>> -> memref<50x32xf32, #tpu.memory_space<vmem>>
      tpu.enqueue_dma source(%dma_start3A_106 : memref<50x32xf32, #tpu.memory_space<vmem>>) target(%dma_start3A_103 : memref<50x32xf32, #tpu.memory_space<hbm>>) target_semaphore(%arg15 : memref<!tpu.dma_semaphore, #tpu.memory_space<semaphore_mem>>)
      %mul3A_107 = arith.constant 8 : i32
      %mul3A_108 = arith.muli %add3A_43, %mul3A_107 : i32
      %add3A_109 = arith.addi %mul3A_2, %mul3A_108 : i32
      %add3A_110 = arith.constant 3 : i32
      %add3A_111 = arith.addi %add3A_109, %add3A_110 : i32
      %dma_start3A_112 = arith.constant 150 : i32
      %dma_start3A_113 = arith.constant 0 : i32
      %dma_start3A_114 = tpu.memref_slice %arg7[%dma_start3A_112, %dma_start3A_113] : memref<400x32xf32, #tpu.memory_space<vmem>> -> memref<50x32xf32, #tpu.memory_space<vmem>>
      %dma_start3A_115 = arith.constant 0 : i32
      %dma_start3A_116 = arith.constant 0 : i32
      %dma_start3A_117 = tpu.memref_slice %arg4[%add3A_111, %dma_start3A_115, %dma_start3A_116] : memref<16384x56x128xf32, #tpu.memory_space<hbm>> -> memref<1x50x32xf32, #tpu.memory_space<hbm>>
      %dma_start3A_118 = tpu.memref_squeeze %dma_start3A_117 : memref<1x50x32xf32, #tpu.memory_space<hbm>> -> memref<50x32xf32, #tpu.memory_space<hbm>>
      %dma_start3A_119 = arith.constant 0 : i32
      %dma_start3A_120 = arith.constant 0 : i32
      %dma_start3A_121 = tpu.memref_slice %arg4[%add3A_111, %dma_start3A_119, %dma_start3A_120] : memref<16384x56x128xf32, #tpu.memory_space<hbm>> -> memref<1x50x32xf32, #tpu.memory_space<hbm>>
      %dma_start3A_122 = tpu.memref_squeeze %dma_start3A_121 : memref<1x50x32xf32, #tpu.memory_space<hbm>> -> memref<50x32xf32, #tpu.memory_space<hbm>>
      %dma_start3A_123 = arith.constant 150 : i32
      %dma_start3A_124 = arith.constant 0 : i32
      %dma_start3A_125 = tpu.memref_slice %arg7[%dma_start3A_123, %dma_start3A_124] : memref<400x32xf32, #tpu.memory_space<vmem>> -> memref<50x32xf32, #tpu.memory_space<vmem>>
      tpu.enqueue_dma source(%dma_start3A_125 : memref<50x32xf32, #tpu.memory_space<vmem>>) target(%dma_start3A_122 : memref<50x32xf32, #tpu.memory_space<hbm>>) target_semaphore(%arg15 : memref<!tpu.dma_semaphore, #tpu.memory_space<semaphore_mem>>)
      %mul3A_126 = arith.constant 8 : i32
      %mul3A_127 = arith.muli %add3A_43, %mul3A_126 : i32
      %add3A_128 = arith.addi %mul3A_2, %mul3A_127 : i32
      %add3A_129 = arith.constant 4 : i32
      %add3A_130 = arith.addi %add3A_128, %add3A_129 : i32
      %dma_start3A_131 = arith.constant 200 : i32
      %dma_start3A_132 = arith.constant 0 : i32
      %dma_start3A_133 = tpu.memref_slice %arg7[%dma_start3A_131, %dma_start3A_132] : memref<400x32xf32, #tpu.memory_space<vmem>> -> memref<50x32xf32, #tpu.memory_space<vmem>>
      %dma_start3A_134 = arith.constant 0 : i32
      %dma_start3A_135 = arith.constant 0 : i32
      %dma_start3A_136 = tpu.memref_slice %arg4[%add3A_130, %dma_start3A_134, %dma_start3A_135] : memref<16384x56x128xf32, #tpu.memory_space<hbm>> -> memref<1x50x32xf32, #tpu.memory_space<hbm>>
      %dma_start3A_137 = tpu.memref_squeeze %dma_start3A_136 : memref<1x50x32xf32, #tpu.memory_space<hbm>> -> memref<50x32xf32, #tpu.memory_space<hbm>>
      %dma_start3A_138 = arith.constant 0 : i32
      %dma_start3A_139 = arith.constant 0 : i32
      %dma_start3A_140 = tpu.memref_slice %arg4[%add3A_130, %dma_start3A_138, %dma_start3A_139] : memref<16384x56x128xf32, #tpu.memory_space<hbm>> -> memref<1x50x32xf32, #tpu.memory_space<hbm>>
      %dma_start3A_141 = tpu.memref_squeeze %dma_start3A_140 : memref<1x50x32xf32, #tpu.memory_space<hbm>> -> memref<50x32xf32, #tpu.memory_space<hbm>>
      %dma_start3A_142 = arith.constant 200 : i32
      %dma_start3A_143 = arith.constant 0 : i32
      %dma_start3A_144 = tpu.memref_slice %arg7[%dma_start3A_142, %dma_start3A_143] : memref<400x32xf32, #tpu.memory_space<vmem>> -> memref<50x32xf32, #tpu.memory_space<vmem>>
      tpu.enqueue_dma source(%dma_start3A_144 : memref<50x32xf32, #tpu.memory_space<vmem>>) target(%dma_start3A_141 : memref<50x32xf32, #tpu.memory_space<hbm>>) target_semaphore(%arg15 : memref<!tpu.dma_semaphore, #tpu.memory_space<semaphore_mem>>)
      %mul3A_145 = arith.constant 8 : i32
      %mul3A_146 = arith.muli %add3A_43, %mul3A_145 : i32
      %add3A_147 = arith.addi %mul3A_2, %mul3A_146 : i32
      %add3A_148 = arith.constant 5 : i32
      %add3A_149 = arith.addi %add3A_147, %add3A_148 : i32
      %dma_start3A_150 = arith.constant 250 : i32
      %dma_start3A_151 = arith.constant 0 : i32
      %dma_start3A_152 = tpu.memref_slice %arg7[%dma_start3A_150, %dma_start3A_151] : memref<400x32xf32, #tpu.memory_space<vmem>> -> memref<50x32xf32, #tpu.memory_space<vmem>>
      %dma_start3A_153 = arith.constant 0 : i32
      %dma_start3A_154 = arith.constant 0 : i32
      %dma_start3A_155 = tpu.memref_slice %arg4[%add3A_149, %dma_start3A_153, %dma_start3A_154] : memref<16384x56x128xf32, #tpu.memory_space<hbm>> -> memref<1x50x32xf32, #tpu.memory_space<hbm>>
      %dma_start3A_156 = tpu.memref_squeeze %dma_start3A_155 : memref<1x50x32xf32, #tpu.memory_space<hbm>> -> memref<50x32xf32, #tpu.memory_space<hbm>>
      %dma_start3A_157 = arith.constant 0 : i32
      %dma_start3A_158 = arith.constant 0 : i32
      %dma_start3A_159 = tpu.memref_slice %arg4[%add3A_149, %dma_start3A_157, %dma_start3A_158] : memref<16384x56x128xf32, #tpu.memory_space<hbm>> -> memref<1x50x32xf32, #tpu.memory_space<hbm>>
      %dma_start3A_160 = tpu.memref_squeeze %dma_start3A_159 : memref<1x50x32xf32, #tpu.memory_space<hbm>> -> memref<50x32xf32, #tpu.memory_space<hbm>>
      %dma_start3A_161 = arith.constant 250 : i32
      %dma_start3A_162 = arith.constant 0 : i32
      %dma_start3A_163 = tpu.memref_slice %arg7[%dma_start3A_161, %dma_start3A_162] : memref<400x32xf32, #tpu.memory_space<vmem>> -> memref<50x32xf32, #tpu.memory_space<vmem>>
      tpu.enqueue_dma source(%dma_start3A_163 : memref<50x32xf32, #tpu.memory_space<vmem>>) target(%dma_start3A_160 : memref<50x32xf32, #tpu.memory_space<hbm>>) target_semaphore(%arg15 : memref<!tpu.dma_semaphore, #tpu.memory_space<semaphore_mem>>)
      %mul3A_164 = arith.constant 8 : i32
      %mul3A_165 = arith.muli %add3A_43, %mul3A_164 : i32
      %add3A_166 = arith.addi %mul3A_2, %mul3A_165 : i32
      %add3A_167 = arith.constant 6 : i32
      %add3A_168 = arith.addi %add3A_166, %add3A_167 : i32
      %dma_start3A_169 = arith.constant 300 : i32
      %dma_start3A_170 = arith.constant 0 : i32
      %dma_start3A_171 = tpu.memref_slice %arg7[%dma_start3A_169, %dma_start3A_170] : memref<400x32xf32, #tpu.memory_space<vmem>> -> memref<50x32xf32, #tpu.memory_space<vmem>>
      %dma_start3A_172 = arith.constant 0 : i32
      %dma_start3A_173 = arith.constant 0 : i32
      %dma_start3A_174 = tpu.memref_slice %arg4[%add3A_168, %dma_start3A_172, %dma_start3A_173] : memref<16384x56x128xf32, #tpu.memory_space<hbm>> -> memref<1x50x32xf32, #tpu.memory_space<hbm>>
      %dma_start3A_175 = tpu.memref_squeeze %dma_start3A_174 : memref<1x50x32xf32, #tpu.memory_space<hbm>> -> memref<50x32xf32, #tpu.memory_space<hbm>>
      %dma_start3A_176 = arith.constant 0 : i32
      %dma_start3A_177 = arith.constant 0 : i32
      %dma_start3A_178 = tpu.memref_slice %arg4[%add3A_168, %dma_start3A_176, %dma_start3A_177] : memref<16384x56x128xf32, #tpu.memory_space<hbm>> -> memref<1x50x32xf32, #tpu.memory_space<hbm>>
      %dma_start3A_179 = tpu.memref_squeeze %dma_start3A_178 : memref<1x50x32xf32, #tpu.memory_space<hbm>> -> memref<50x32xf32, #tpu.memory_space<hbm>>
      %dma_start3A_180 = arith.constant 300 : i32
      %dma_start3A_181 = arith.constant 0 : i32
      %dma_start3A_182 = tpu.memref_slice %arg7[%dma_start3A_180, %dma_start3A_181] : memref<400x32xf32, #tpu.memory_space<vmem>> -> memref<50x32xf32, #tpu.memory_space<vmem>>
      tpu.enqueue_dma source(%dma_start3A_182 : memref<50x32xf32, #tpu.memory_space<vmem>>) target(%dma_start3A_179 : memref<50x32xf32, #tpu.memory_space<hbm>>) target_semaphore(%arg15 : memref<!tpu.dma_semaphore, #tpu.memory_space<semaphore_mem>>)
      %mul3A_183 = arith.constant 8 : i32
      %mul3A_184 = arith.muli %add3A_43, %mul3A_183 : i32
      %add3A_185 = arith.addi %mul3A_2, %mul3A_184 : i32
      %add3A_186 = arith.constant 7 : i32
      %add3A_187 = arith.addi %add3A_185, %add3A_186 : i32
      %dma_start3A_188 = arith.constant 350 : i32
      %dma_start3A_189 = arith.constant 0 : i32
      %dma_start3A_190 = tpu.memref_slice %arg7[%dma_start3A_188, %dma_start3A_189] : memref<400x32xf32, #tpu.memory_space<vmem>> -> memref<50x32xf32, #tpu.memory_space<vmem>>
      %dma_start3A_191 = arith.constant 0 : i32
      %dma_start3A_192 = arith.constant 0 : i32
      %dma_start3A_193 = tpu.memref_slice %arg4[%add3A_187, %dma_start3A_191, %dma_start3A_192] : memref<16384x56x128xf32, #tpu.memory_space<hbm>> -> memref<1x50x32xf32, #tpu.memory_space<hbm>>
      %dma_start3A_194 = tpu.memref_squeeze %dma_start3A_193 : memref<1x50x32xf32, #tpu.memory_space<hbm>> -> memref<50x32xf32, #tpu.memory_space<hbm>>
      %dma_start3A_195 = arith.constant 0 : i32
      %dma_start3A_196 = arith.constant 0 : i32
      %dma_start3A_197 = tpu.memref_slice %arg4[%add3A_187, %dma_start3A_195, %dma_start3A_196] : memref<16384x56x128xf32, #tpu.memory_space<hbm>> -> memref<1x50x32xf32, #tpu.memory_space<hbm>>
      %dma_start3A_198 = tpu.memref_squeeze %dma_start3A_197 : memref<1x50x32xf32, #tpu.memory_space<hbm>> -> memref<50x32xf32, #tpu.memory_space<hbm>>
      %dma_start3A_199 = arith.constant 350 : i32
      %dma_start3A_200 = arith.constant 0 : i32
      %dma_start3A_201 = tpu.memref_slice %arg7[%dma_start3A_199, %dma_start3A_200] : memref<400x32xf32, #tpu.memory_space<vmem>> -> memref<50x32xf32, #tpu.memory_space<vmem>>
      tpu.enqueue_dma source(%dma_start3A_201 : memref<50x32xf32, #tpu.memory_space<vmem>>) target(%dma_start3A_198 : memref<50x32xf32, #tpu.memory_space<hbm>>) target_semaphore(%arg15 : memref<!tpu.dma_semaphore, #tpu.memory_space<semaphore_mem>>)
      %gt3A = arith.constant 0 : i32
      %gt3A_202 = arith.cmpi sgt, %add3A_43, %gt3A : i32
      %convert_element_type3A = arith.extui %gt3A_202 : i1 to i32
      %cond3A = arith.constant 0 : i32
      %cond3A_203 = arith.cmpi ne, %convert_element_type3A, %cond3A : i32
      scf.if %cond3A_203 {
        %dma_wait3A_739 = arith.constant 0 : i32
        %dma_wait3A_740 = arith.constant 0 : i32
        %dma_wait3A_741 = tpu.memref_slice %arg3[%dma_wait3A_739, %dma_wait3A_740] : memref<1000004x32xf32, #tpu.memory_space<hbm>> -> memref<400x32xf32, #tpu.memory_space<hbm>>
        %dma_wait3A_742 = arith.constant 0 : i32
        %dma_wait3A_743 = arith.constant 0 : i32
        %dma_wait3A_744 = tpu.memref_slice %arg3[%dma_wait3A_742, %dma_wait3A_743] : memref<1000004x32xf32, #tpu.memory_space<hbm>> -> memref<400x32xf32, #tpu.memory_space<hbm>>
        tpu.wait_dma2 semaphore(%arg18 : memref<!tpu.dma_semaphore, #tpu.memory_space<semaphore_mem>>) src(%arg10 : memref<400x32xf32, #tpu.memory_space<vmem>>) dst(%dma_wait3A_744 : memref<400x32xf32, #tpu.memory_space<hbm>>)
      } else {
      }
      %add3A_204 = arith.constant 4 : i32
      %add3A_205 = arith.addi %add3A_43, %add3A_204 : i32
      %sub3A = arith.constant 1 : i32
      %sub3A_206 = arith.subi %add3A_205, %sub3A : i32
      %lt3A = arith.constant 64 : i32
      %lt3A_207 = arith.cmpi slt, %sub3A_206, %lt3A : i32
      %convert_element_type3A_208 = arith.extui %lt3A_207 : i1 to i32
      %cond3A_209 = arith.constant 0 : i32
      %cond3A_210 = arith.cmpi ne, %convert_element_type3A_208, %cond3A_209 : i32
      scf.if %cond3A_210 {
        %add3A_739 = arith.constant 4 : i32
        %add3A_740 = arith.addi %add3A_43, %add3A_739 : i32
        %sub3A_741 = arith.constant 1 : i32
        %sub3A_742 = arith.subi %add3A_740, %sub3A_741 : i32
        %dma_start3A_743 = arith.constant 0 : i32
        %dma_start3A_744 = tpu.memref_slice %arg6[%sub3A_742, %dma_start3A_743] : memref<64x400xi32, #tpu.memory_space<vmem>> -> memref<1x400xi32, #tpu.memory_space<vmem>>
        %dma_start3A_745 = tpu.memref_squeeze %dma_start3A_744 : memref<1x400xi32, #tpu.memory_space<vmem>> -> memref<400xi32, #tpu.memory_space<vmem>>
        %dma_start3A_746 = arith.constant 0 : i32
        %dma_start3A_747 = arith.constant 0 : i32
        %dma_start3A_748 = tpu.memref_slice %arg3[%dma_start3A_746, %dma_start3A_747] : memref<1000004x32xf32, #tpu.memory_space<hbm>> -> memref<1000004x32xf32, #tpu.memory_space<hbm>>
        tpu.enqueue_indirect_dma source(%dma_start3A_748 : memref<1000004x32xf32, #tpu.memory_space<hbm>>) target(%arg10 : memref<400x32xf32, #tpu.memory_space<vmem>>) offsets(%dma_start3A_745 : memref<400xi32, #tpu.memory_space<vmem>>) semaphore(%arg14 : memref<!tpu.dma_semaphore, #tpu.memory_space<semaphore_mem>>)
      } else {
      }
      %mul3A_211 = arith.constant 4 : i32
      %mul3A_212 = arith.muli %scan3A_39, %mul3A_211 : i32
      %add3A_213 = arith.constant 1 : i32
      %add3A_214 = arith.addi %mul3A_212, %add3A_213 : i32
      %dma_wait3A_215 = arith.constant 0 : i32
      %dma_wait3A_216 = arith.constant 0 : i32
      %dma_wait3A_217 = tpu.memref_slice %arg3[%dma_wait3A_215, %dma_wait3A_216] : memref<1000004x32xf32, #tpu.memory_space<hbm>> -> memref<400x32xf32, #tpu.memory_space<hbm>>
      %dma_wait3A_218 = arith.constant 0 : i32
      %dma_wait3A_219 = arith.constant 0 : i32
      %dma_wait3A_220 = tpu.memref_slice %arg3[%dma_wait3A_218, %dma_wait3A_219] : memref<1000004x32xf32, #tpu.memory_space<hbm>> -> memref<400x32xf32, #tpu.memory_space<hbm>>
      tpu.wait_dma2 semaphore(%arg12 : memref<!tpu.dma_semaphore, #tpu.memory_space<semaphore_mem>>) src(%dma_wait3A_220 : memref<400x32xf32, #tpu.memory_space<hbm>>) dst(%arg8 : memref<400x32xf32, #tpu.memory_space<vmem>>)
      %mul3A_221 = arith.constant 8 : i32
      %mul3A_222 = arith.muli %add3A_214, %mul3A_221 : i32
      %add3A_223 = arith.addi %mul3A_2, %mul3A_222 : i32
      %add3A_224 = arith.constant 0 : i32
      %add3A_225 = arith.addi %add3A_223, %add3A_224 : i32
      %dma_start3A_226 = arith.constant 0 : i32
      %dma_start3A_227 = arith.constant 0 : i32
      %dma_start3A_228 = tpu.memref_slice %arg8[%dma_start3A_226, %dma_start3A_227] : memref<400x32xf32, #tpu.memory_space<vmem>> -> memref<50x32xf32, #tpu.memory_space<vmem>>
      %dma_start3A_229 = arith.constant 0 : i32
      %dma_start3A_230 = arith.constant 0 : i32
      %dma_start3A_231 = tpu.memref_slice %arg4[%add3A_225, %dma_start3A_229, %dma_start3A_230] : memref<16384x56x128xf32, #tpu.memory_space<hbm>> -> memref<1x50x32xf32, #tpu.memory_space<hbm>>
      %dma_start3A_232 = tpu.memref_squeeze %dma_start3A_231 : memref<1x50x32xf32, #tpu.memory_space<hbm>> -> memref<50x32xf32, #tpu.memory_space<hbm>>
      %dma_start3A_233 = arith.constant 0 : i32
      %dma_start3A_234 = arith.constant 0 : i32
      %dma_start3A_235 = tpu.memref_slice %arg4[%add3A_225, %dma_start3A_233, %dma_start3A_234] : memref<16384x56x128xf32, #tpu.memory_space<hbm>> -> memref<1x50x32xf32, #tpu.memory_space<hbm>>
      %dma_start3A_236 = tpu.memref_squeeze %dma_start3A_235 : memref<1x50x32xf32, #tpu.memory_space<hbm>> -> memref<50x32xf32, #tpu.memory_space<hbm>>
      %dma_start3A_237 = arith.constant 0 : i32
      %dma_start3A_238 = arith.constant 0 : i32
      %dma_start3A_239 = tpu.memref_slice %arg8[%dma_start3A_237, %dma_start3A_238] : memref<400x32xf32, #tpu.memory_space<vmem>> -> memref<50x32xf32, #tpu.memory_space<vmem>>
      tpu.enqueue_dma source(%dma_start3A_239 : memref<50x32xf32, #tpu.memory_space<vmem>>) target(%dma_start3A_236 : memref<50x32xf32, #tpu.memory_space<hbm>>) target_semaphore(%arg16 : memref<!tpu.dma_semaphore, #tpu.memory_space<semaphore_mem>>)
      %mul3A_240 = arith.constant 8 : i32
      %mul3A_241 = arith.muli %add3A_214, %mul3A_240 : i32
      %add3A_242 = arith.addi %mul3A_2, %mul3A_241 : i32
      %add3A_243 = arith.constant 1 : i32
      %add3A_244 = arith.addi %add3A_242, %add3A_243 : i32
      %dma_start3A_245 = arith.constant 50 : i32
      %dma_start3A_246 = arith.constant 0 : i32
      %dma_start3A_247 = tpu.memref_slice %arg8[%dma_start3A_245, %dma_start3A_246] : memref<400x32xf32, #tpu.memory_space<vmem>> -> memref<50x32xf32, #tpu.memory_space<vmem>>
      %dma_start3A_248 = arith.constant 0 : i32
      %dma_start3A_249 = arith.constant 0 : i32
      %dma_start3A_250 = tpu.memref_slice %arg4[%add3A_244, %dma_start3A_248, %dma_start3A_249] : memref<16384x56x128xf32, #tpu.memory_space<hbm>> -> memref<1x50x32xf32, #tpu.memory_space<hbm>>
      %dma_start3A_251 = tpu.memref_squeeze %dma_start3A_250 : memref<1x50x32xf32, #tpu.memory_space<hbm>> -> memref<50x32xf32, #tpu.memory_space<hbm>>
      %dma_start3A_252 = arith.constant 0 : i32
      %dma_start3A_253 = arith.constant 0 : i32
      %dma_start3A_254 = tpu.memref_slice %arg4[%add3A_244, %dma_start3A_252, %dma_start3A_253] : memref<16384x56x128xf32, #tpu.memory_space<hbm>> -> memref<1x50x32xf32, #tpu.memory_space<hbm>>
      %dma_start3A_255 = tpu.memref_squeeze %dma_start3A_254 : memref<1x50x32xf32, #tpu.memory_space<hbm>> -> memref<50x32xf32, #tpu.memory_space<hbm>>
      %dma_start3A_256 = arith.constant 50 : i32
      %dma_start3A_257 = arith.constant 0 : i32
      %dma_start3A_258 = tpu.memref_slice %arg8[%dma_start3A_256, %dma_start3A_257] : memref<400x32xf32, #tpu.memory_space<vmem>> -> memref<50x32xf32, #tpu.memory_space<vmem>>
      tpu.enqueue_dma source(%dma_start3A_258 : memref<50x32xf32, #tpu.memory_space<vmem>>) target(%dma_start3A_255 : memref<50x32xf32, #tpu.memory_space<hbm>>) target_semaphore(%arg16 : memref<!tpu.dma_semaphore, #tpu.memory_space<semaphore_mem>>)
      %mul3A_259 = arith.constant 8 : i32
      %mul3A_260 = arith.muli %add3A_214, %mul3A_259 : i32
      %add3A_261 = arith.addi %mul3A_2, %mul3A_260 : i32
      %add3A_262 = arith.constant 2 : i32
      %add3A_263 = arith.addi %add3A_261, %add3A_262 : i32
      %dma_start3A_264 = arith.constant 100 : i32
      %dma_start3A_265 = arith.constant 0 : i32
      %dma_start3A_266 = tpu.memref_slice %arg8[%dma_start3A_264, %dma_start3A_265] : memref<400x32xf32, #tpu.memory_space<vmem>> -> memref<50x32xf32, #tpu.memory_space<vmem>>
      %dma_start3A_267 = arith.constant 0 : i32
      %dma_start3A_268 = arith.constant 0 : i32
      %dma_start3A_269 = tpu.memref_slice %arg4[%add3A_263, %dma_start3A_267, %dma_start3A_268] : memref<16384x56x128xf32, #tpu.memory_space<hbm>> -> memref<1x50x32xf32, #tpu.memory_space<hbm>>
      %dma_start3A_270 = tpu.memref_squeeze %dma_start3A_269 : memref<1x50x32xf32, #tpu.memory_space<hbm>> -> memref<50x32xf32, #tpu.memory_space<hbm>>
      %dma_start3A_271 = arith.constant 0 : i32
      %dma_start3A_272 = arith.constant 0 : i32
      %dma_start3A_273 = tpu.memref_slice %arg4[%add3A_263, %dma_start3A_271, %dma_start3A_272] : memref<16384x56x128xf32, #tpu.memory_space<hbm>> -> memref<1x50x32xf32, #tpu.memory_space<hbm>>
      %dma_start3A_274 = tpu.memref_squeeze %dma_start3A_273 : memref<1x50x32xf32, #tpu.memory_space<hbm>> -> memref<50x32xf32, #tpu.memory_space<hbm>>
      %dma_start3A_275 = arith.constant 100 : i32
      %dma_start3A_276 = arith.constant 0 : i32
      %dma_start3A_277 = tpu.memref_slice %arg8[%dma_start3A_275, %dma_start3A_276] : memref<400x32xf32, #tpu.memory_space<vmem>> -> memref<50x32xf32, #tpu.memory_space<vmem>>
      tpu.enqueue_dma source(%dma_start3A_277 : memref<50x32xf32, #tpu.memory_space<vmem>>) target(%dma_start3A_274 : memref<50x32xf32, #tpu.memory_space<hbm>>) target_semaphore(%arg16 : memref<!tpu.dma_semaphore, #tpu.memory_space<semaphore_mem>>)
      %mul3A_278 = arith.constant 8 : i32
      %mul3A_279 = arith.muli %add3A_214, %mul3A_278 : i32
      %add3A_280 = arith.addi %mul3A_2, %mul3A_279 : i32
      %add3A_281 = arith.constant 3 : i32
      %add3A_282 = arith.addi %add3A_280, %add3A_281 : i32
      %dma_start3A_283 = arith.constant 150 : i32
      %dma_start3A_284 = arith.constant 0 : i32
      %dma_start3A_285 = tpu.memref_slice %arg8[%dma_start3A_283, %dma_start3A_284] : memref<400x32xf32, #tpu.memory_space<vmem>> -> memref<50x32xf32, #tpu.memory_space<vmem>>
      %dma_start3A_286 = arith.constant 0 : i32
      %dma_start3A_287 = arith.constant 0 : i32
      %dma_start3A_288 = tpu.memref_slice %arg4[%add3A_282, %dma_start3A_286, %dma_start3A_287] : memref<16384x56x128xf32, #tpu.memory_space<hbm>> -> memref<1x50x32xf32, #tpu.memory_space<hbm>>
      %dma_start3A_289 = tpu.memref_squeeze %dma_start3A_288 : memref<1x50x32xf32, #tpu.memory_space<hbm>> -> memref<50x32xf32, #tpu.memory_space<hbm>>
      %dma_start3A_290 = arith.constant 0 : i32
      %dma_start3A_291 = arith.constant 0 : i32
      %dma_start3A_292 = tpu.memref_slice %arg4[%add3A_282, %dma_start3A_290, %dma_start3A_291] : memref<16384x56x128xf32, #tpu.memory_space<hbm>> -> memref<1x50x32xf32, #tpu.memory_space<hbm>>
      %dma_start3A_293 = tpu.memref_squeeze %dma_start3A_292 : memref<1x50x32xf32, #tpu.memory_space<hbm>> -> memref<50x32xf32, #tpu.memory_space<hbm>>
      %dma_start3A_294 = arith.constant 150 : i32
      %dma_start3A_295 = arith.constant 0 : i32
      %dma_start3A_296 = tpu.memref_slice %arg8[%dma_start3A_294, %dma_start3A_295] : memref<400x32xf32, #tpu.memory_space<vmem>> -> memref<50x32xf32, #tpu.memory_space<vmem>>
      tpu.enqueue_dma source(%dma_start3A_296 : memref<50x32xf32, #tpu.memory_space<vmem>>) target(%dma_start3A_293 : memref<50x32xf32, #tpu.memory_space<hbm>>) target_semaphore(%arg16 : memref<!tpu.dma_semaphore, #tpu.memory_space<semaphore_mem>>)
      %mul3A_297 = arith.constant 8 : i32
      %mul3A_298 = arith.muli %add3A_214, %mul3A_297 : i32
      %add3A_299 = arith.addi %mul3A_2, %mul3A_298 : i32
      %add3A_300 = arith.constant 4 : i32
      %add3A_301 = arith.addi %add3A_299, %add3A_300 : i32
      %dma_start3A_302 = arith.constant 200 : i32
      %dma_start3A_303 = arith.constant 0 : i32
      %dma_start3A_304 = tpu.memref_slice %arg8[%dma_start3A_302, %dma_start3A_303] : memref<400x32xf32, #tpu.memory_space<vmem>> -> memref<50x32xf32, #tpu.memory_space<vmem>>
      %dma_start3A_305 = arith.constant 0 : i32
      %dma_start3A_306 = arith.constant 0 : i32
      %dma_start3A_307 = tpu.memref_slice %arg4[%add3A_301, %dma_start3A_305, %dma_start3A_306] : memref<16384x56x128xf32, #tpu.memory_space<hbm>> -> memref<1x50x32xf32, #tpu.memory_space<hbm>>
      %dma_start3A_308 = tpu.memref_squeeze %dma_start3A_307 : memref<1x50x32xf32, #tpu.memory_space<hbm>> -> memref<50x32xf32, #tpu.memory_space<hbm>>
      %dma_start3A_309 = arith.constant 0 : i32
      %dma_start3A_310 = arith.constant 0 : i32
      %dma_start3A_311 = tpu.memref_slice %arg4[%add3A_301, %dma_start3A_309, %dma_start3A_310] : memref<16384x56x128xf32, #tpu.memory_space<hbm>> -> memref<1x50x32xf32, #tpu.memory_space<hbm>>
      %dma_start3A_312 = tpu.memref_squeeze %dma_start3A_311 : memref<1x50x32xf32, #tpu.memory_space<hbm>> -> memref<50x32xf32, #tpu.memory_space<hbm>>
      %dma_start3A_313 = arith.constant 200 : i32
      %dma_start3A_314 = arith.constant 0 : i32
      %dma_start3A_315 = tpu.memref_slice %arg8[%dma_start3A_313, %dma_start3A_314] : memref<400x32xf32, #tpu.memory_space<vmem>> -> memref<50x32xf32, #tpu.memory_space<vmem>>
      tpu.enqueue_dma source(%dma_start3A_315 : memref<50x32xf32, #tpu.memory_space<vmem>>) target(%dma_start3A_312 : memref<50x32xf32, #tpu.memory_space<hbm>>) target_semaphore(%arg16 : memref<!tpu.dma_semaphore, #tpu.memory_space<semaphore_mem>>)
      %mul3A_316 = arith.constant 8 : i32
      %mul3A_317 = arith.muli %add3A_214, %mul3A_316 : i32
      %add3A_318 = arith.addi %mul3A_2, %mul3A_317 : i32
      %add3A_319 = arith.constant 5 : i32
      %add3A_320 = arith.addi %add3A_318, %add3A_319 : i32
      %dma_start3A_321 = arith.constant 250 : i32
      %dma_start3A_322 = arith.constant 0 : i32
      %dma_start3A_323 = tpu.memref_slice %arg8[%dma_start3A_321, %dma_start3A_322] : memref<400x32xf32, #tpu.memory_space<vmem>> -> memref<50x32xf32, #tpu.memory_space<vmem>>
      %dma_start3A_324 = arith.constant 0 : i32
      %dma_start3A_325 = arith.constant 0 : i32
      %dma_start3A_326 = tpu.memref_slice %arg4[%add3A_320, %dma_start3A_324, %dma_start3A_325] : memref<16384x56x128xf32, #tpu.memory_space<hbm>> -> memref<1x50x32xf32, #tpu.memory_space<hbm>>
      %dma_start3A_327 = tpu.memref_squeeze %dma_start3A_326 : memref<1x50x32xf32, #tpu.memory_space<hbm>> -> memref<50x32xf32, #tpu.memory_space<hbm>>
      %dma_start3A_328 = arith.constant 0 : i32
      %dma_start3A_329 = arith.constant 0 : i32
      %dma_start3A_330 = tpu.memref_slice %arg4[%add3A_320, %dma_start3A_328, %dma_start3A_329] : memref<16384x56x128xf32, #tpu.memory_space<hbm>> -> memref<1x50x32xf32, #tpu.memory_space<hbm>>
      %dma_start3A_331 = tpu.memref_squeeze %dma_start3A_330 : memref<1x50x32xf32, #tpu.memory_space<hbm>> -> memref<50x32xf32, #tpu.memory_space<hbm>>
      %dma_start3A_332 = arith.constant 250 : i32
      %dma_start3A_333 = arith.constant 0 : i32
      %dma_start3A_334 = tpu.memref_slice %arg8[%dma_start3A_332, %dma_start3A_333] : memref<400x32xf32, #tpu.memory_space<vmem>> -> memref<50x32xf32, #tpu.memory_space<vmem>>
      tpu.enqueue_dma source(%dma_start3A_334 : memref<50x32xf32, #tpu.memory_space<vmem>>) target(%dma_start3A_331 : memref<50x32xf32, #tpu.memory_space<hbm>>) target_semaphore(%arg16 : memref<!tpu.dma_semaphore, #tpu.memory_space<semaphore_mem>>)
      %mul3A_335 = arith.constant 8 : i32
      %mul3A_336 = arith.muli %add3A_214, %mul3A_335 : i32
      %add3A_337 = arith.addi %mul3A_2, %mul3A_336 : i32
      %add3A_338 = arith.constant 6 : i32
      %add3A_339 = arith.addi %add3A_337, %add3A_338 : i32
      %dma_start3A_340 = arith.constant 300 : i32
      %dma_start3A_341 = arith.constant 0 : i32
      %dma_start3A_342 = tpu.memref_slice %arg8[%dma_start3A_340, %dma_start3A_341] : memref<400x32xf32, #tpu.memory_space<vmem>> -> memref<50x32xf32, #tpu.memory_space<vmem>>
      %dma_start3A_343 = arith.constant 0 : i32
      %dma_start3A_344 = arith.constant 0 : i32
      %dma_start3A_345 = tpu.memref_slice %arg4[%add3A_339, %dma_start3A_343, %dma_start3A_344] : memref<16384x56x128xf32, #tpu.memory_space<hbm>> -> memref<1x50x32xf32, #tpu.memory_space<hbm>>
      %dma_start3A_346 = tpu.memref_squeeze %dma_start3A_345 : memref<1x50x32xf32, #tpu.memory_space<hbm>> -> memref<50x32xf32, #tpu.memory_space<hbm>>
      %dma_start3A_347 = arith.constant 0 : i32
      %dma_start3A_348 = arith.constant 0 : i32
      %dma_start3A_349 = tpu.memref_slice %arg4[%add3A_339, %dma_start3A_347, %dma_start3A_348] : memref<16384x56x128xf32, #tpu.memory_space<hbm>> -> memref<1x50x32xf32, #tpu.memory_space<hbm>>
      %dma_start3A_350 = tpu.memref_squeeze %dma_start3A_349 : memref<1x50x32xf32, #tpu.memory_space<hbm>> -> memref<50x32xf32, #tpu.memory_space<hbm>>
      %dma_start3A_351 = arith.constant 300 : i32
      %dma_start3A_352 = arith.constant 0 : i32
      %dma_start3A_353 = tpu.memref_slice %arg8[%dma_start3A_351, %dma_start3A_352] : memref<400x32xf32, #tpu.memory_space<vmem>> -> memref<50x32xf32, #tpu.memory_space<vmem>>
      tpu.enqueue_dma source(%dma_start3A_353 : memref<50x32xf32, #tpu.memory_space<vmem>>) target(%dma_start3A_350 : memref<50x32xf32, #tpu.memory_space<hbm>>) target_semaphore(%arg16 : memref<!tpu.dma_semaphore, #tpu.memory_space<semaphore_mem>>)
      %mul3A_354 = arith.constant 8 : i32
      %mul3A_355 = arith.muli %add3A_214, %mul3A_354 : i32
      %add3A_356 = arith.addi %mul3A_2, %mul3A_355 : i32
      %add3A_357 = arith.constant 7 : i32
      %add3A_358 = arith.addi %add3A_356, %add3A_357 : i32
      %dma_start3A_359 = arith.constant 350 : i32
      %dma_start3A_360 = arith.constant 0 : i32
      %dma_start3A_361 = tpu.memref_slice %arg8[%dma_start3A_359, %dma_start3A_360] : memref<400x32xf32, #tpu.memory_space<vmem>> -> memref<50x32xf32, #tpu.memory_space<vmem>>
      %dma_start3A_362 = arith.constant 0 : i32
      %dma_start3A_363 = arith.constant 0 : i32
      %dma_start3A_364 = tpu.memref_slice %arg4[%add3A_358, %dma_start3A_362, %dma_start3A_363] : memref<16384x56x128xf32, #tpu.memory_space<hbm>> -> memref<1x50x32xf32, #tpu.memory_space<hbm>>
      %dma_start3A_365 = tpu.memref_squeeze %dma_start3A_364 : memref<1x50x32xf32, #tpu.memory_space<hbm>> -> memref<50x32xf32, #tpu.memory_space<hbm>>
      %dma_start3A_366 = arith.constant 0 : i32
      %dma_start3A_367 = arith.constant 0 : i32
      %dma_start3A_368 = tpu.memref_slice %arg4[%add3A_358, %dma_start3A_366, %dma_start3A_367] : memref<16384x56x128xf32, #tpu.memory_space<hbm>> -> memref<1x50x32xf32, #tpu.memory_space<hbm>>
      %dma_start3A_369 = tpu.memref_squeeze %dma_start3A_368 : memref<1x50x32xf32, #tpu.memory_space<hbm>> -> memref<50x32xf32, #tpu.memory_space<hbm>>
      %dma_start3A_370 = arith.constant 350 : i32
      %dma_start3A_371 = arith.constant 0 : i32
      %dma_start3A_372 = tpu.memref_slice %arg8[%dma_start3A_370, %dma_start3A_371] : memref<400x32xf32, #tpu.memory_space<vmem>> -> memref<50x32xf32, #tpu.memory_space<vmem>>
      tpu.enqueue_dma source(%dma_start3A_372 : memref<50x32xf32, #tpu.memory_space<vmem>>) target(%dma_start3A_369 : memref<50x32xf32, #tpu.memory_space<hbm>>) target_semaphore(%arg16 : memref<!tpu.dma_semaphore, #tpu.memory_space<semaphore_mem>>)
      %gt3A_373 = arith.constant 0 : i32
      %gt3A_374 = arith.cmpi sgt, %add3A_214, %gt3A_373 : i32
      %convert_element_type3A_375 = arith.extui %gt3A_374 : i1 to i32
      %cond3A_376 = arith.constant 0 : i32
      %cond3A_377 = arith.cmpi ne, %convert_element_type3A_375, %cond3A_376 : i32
      scf.if %cond3A_377 {
        %dma_wait3A_739 = arith.constant 0 : i32
        %dma_wait3A_740 = arith.constant 0 : i32
        %dma_wait3A_741 = tpu.memref_slice %arg3[%dma_wait3A_739, %dma_wait3A_740] : memref<1000004x32xf32, #tpu.memory_space<hbm>> -> memref<400x32xf32, #tpu.memory_space<hbm>>
        %dma_wait3A_742 = arith.constant 0 : i32
        %dma_wait3A_743 = arith.constant 0 : i32
        %dma_wait3A_744 = tpu.memref_slice %arg3[%dma_wait3A_742, %dma_wait3A_743] : memref<1000004x32xf32, #tpu.memory_space<hbm>> -> memref<400x32xf32, #tpu.memory_space<hbm>>
        tpu.wait_dma2 semaphore(%arg15 : memref<!tpu.dma_semaphore, #tpu.memory_space<semaphore_mem>>) src(%arg7 : memref<400x32xf32, #tpu.memory_space<vmem>>) dst(%dma_wait3A_744 : memref<400x32xf32, #tpu.memory_space<hbm>>)
      } else {
      }
      %add3A_378 = arith.constant 4 : i32
      %add3A_379 = arith.addi %add3A_214, %add3A_378 : i32
      %sub3A_380 = arith.constant 1 : i32
      %sub3A_381 = arith.subi %add3A_379, %sub3A_380 : i32
      %lt3A_382 = arith.constant 64 : i32
      %lt3A_383 = arith.cmpi slt, %sub3A_381, %lt3A_382 : i32
      %convert_element_type3A_384 = arith.extui %lt3A_383 : i1 to i32
      %cond3A_385 = arith.constant 0 : i32
      %cond3A_386 = arith.cmpi ne, %convert_element_type3A_384, %cond3A_385 : i32
      scf.if %cond3A_386 {
        %add3A_739 = arith.constant 4 : i32
        %add3A_740 = arith.addi %add3A_214, %add3A_739 : i32
        %sub3A_741 = arith.constant 1 : i32
        %sub3A_742 = arith.subi %add3A_740, %sub3A_741 : i32
        %dma_start3A_743 = arith.constant 0 : i32
        %dma_start3A_744 = tpu.memref_slice %arg6[%sub3A_742, %dma_start3A_743] : memref<64x400xi32, #tpu.memory_space<vmem>> -> memref<1x400xi32, #tpu.memory_space<vmem>>
        %dma_start3A_745 = tpu.memref_squeeze %dma_start3A_744 : memref<1x400xi32, #tpu.memory_space<vmem>> -> memref<400xi32, #tpu.memory_space<vmem>>
        %dma_start3A_746 = arith.constant 0 : i32
        %dma_start3A_747 = arith.constant 0 : i32
        %dma_start3A_748 = tpu.memref_slice %arg3[%dma_start3A_746, %dma_start3A_747] : memref<1000004x32xf32, #tpu.memory_space<hbm>> -> memref<1000004x32xf32, #tpu.memory_space<hbm>>
        tpu.enqueue_indirect_dma source(%dma_start3A_748 : memref<1000004x32xf32, #tpu.memory_space<hbm>>) target(%arg7 : memref<400x32xf32, #tpu.memory_space<vmem>>) offsets(%dma_start3A_745 : memref<400xi32, #tpu.memory_space<vmem>>) semaphore(%arg11 : memref<!tpu.dma_semaphore, #tpu.memory_space<semaphore_mem>>)
      } else {
      }
      %mul3A_387 = arith.constant 4 : i32
      %mul3A_388 = arith.muli %scan3A_39, %mul3A_387 : i32
      %add3A_389 = arith.constant 2 : i32
      %add3A_390 = arith.addi %mul3A_388, %add3A_389 : i32
      %dma_wait3A_391 = arith.constant 0 : i32
      %dma_wait3A_392 = arith.constant 0 : i32
      %dma_wait3A_393 = tpu.memref_slice %arg3[%dma_wait3A_391, %dma_wait3A_392] : memref<1000004x32xf32, #tpu.memory_space<hbm>> -> memref<400x32xf32, #tpu.memory_space<hbm>>
      %dma_wait3A_394 = arith.constant 0 : i32
      %dma_wait3A_395 = arith.constant 0 : i32
      %dma_wait3A_396 = tpu.memref_slice %arg3[%dma_wait3A_394, %dma_wait3A_395] : memref<1000004x32xf32, #tpu.memory_space<hbm>> -> memref<400x32xf32, #tpu.memory_space<hbm>>
      tpu.wait_dma2 semaphore(%arg13 : memref<!tpu.dma_semaphore, #tpu.memory_space<semaphore_mem>>) src(%dma_wait3A_396 : memref<400x32xf32, #tpu.memory_space<hbm>>) dst(%arg9 : memref<400x32xf32, #tpu.memory_space<vmem>>)
      %mul3A_397 = arith.constant 8 : i32
      %mul3A_398 = arith.muli %add3A_390, %mul3A_397 : i32
      %add3A_399 = arith.addi %mul3A_2, %mul3A_398 : i32
      %add3A_400 = arith.constant 0 : i32
      %add3A_401 = arith.addi %add3A_399, %add3A_400 : i32
      %dma_start3A_402 = arith.constant 0 : i32
      %dma_start3A_403 = arith.constant 0 : i32
      %dma_start3A_404 = tpu.memref_slice %arg9[%dma_start3A_402, %dma_start3A_403] : memref<400x32xf32, #tpu.memory_space<vmem>> -> memref<50x32xf32, #tpu.memory_space<vmem>>
      %dma_start3A_405 = arith.constant 0 : i32
      %dma_start3A_406 = arith.constant 0 : i32
      %dma_start3A_407 = tpu.memref_slice %arg4[%add3A_401, %dma_start3A_405, %dma_start3A_406] : memref<16384x56x128xf32, #tpu.memory_space<hbm>> -> memref<1x50x32xf32, #tpu.memory_space<hbm>>
      %dma_start3A_408 = tpu.memref_squeeze %dma_start3A_407 : memref<1x50x32xf32, #tpu.memory_space<hbm>> -> memref<50x32xf32, #tpu.memory_space<hbm>>
      %dma_start3A_409 = arith.constant 0 : i32
      %dma_start3A_410 = arith.constant 0 : i32
      %dma_start3A_411 = tpu.memref_slice %arg4[%add3A_401, %dma_start3A_409, %dma_start3A_410] : memref<16384x56x128xf32, #tpu.memory_space<hbm>> -> memref<1x50x32xf32, #tpu.memory_space<hbm>>
      %dma_start3A_412 = tpu.memref_squeeze %dma_start3A_411 : memref<1x50x32xf32, #tpu.memory_space<hbm>> -> memref<50x32xf32, #tpu.memory_space<hbm>>
      %dma_start3A_413 = arith.constant 0 : i32
      %dma_start3A_414 = arith.constant 0 : i32
      %dma_start3A_415 = tpu.memref_slice %arg9[%dma_start3A_413, %dma_start3A_414] : memref<400x32xf32, #tpu.memory_space<vmem>> -> memref<50x32xf32, #tpu.memory_space<vmem>>
      tpu.enqueue_dma source(%dma_start3A_415 : memref<50x32xf32, #tpu.memory_space<vmem>>) target(%dma_start3A_412 : memref<50x32xf32, #tpu.memory_space<hbm>>) target_semaphore(%arg17 : memref<!tpu.dma_semaphore, #tpu.memory_space<semaphore_mem>>)
      %mul3A_416 = arith.constant 8 : i32
      %mul3A_417 = arith.muli %add3A_390, %mul3A_416 : i32
      %add3A_418 = arith.addi %mul3A_2, %mul3A_417 : i32
      %add3A_419 = arith.constant 1 : i32
      %add3A_420 = arith.addi %add3A_418, %add3A_419 : i32
      %dma_start3A_421 = arith.constant 50 : i32
      %dma_start3A_422 = arith.constant 0 : i32
      %dma_start3A_423 = tpu.memref_slice %arg9[%dma_start3A_421, %dma_start3A_422] : memref<400x32xf32, #tpu.memory_space<vmem>> -> memref<50x32xf32, #tpu.memory_space<vmem>>
      %dma_start3A_424 = arith.constant 0 : i32
      %dma_start3A_425 = arith.constant 0 : i32
      %dma_start3A_426 = tpu.memref_slice %arg4[%add3A_420, %dma_start3A_424, %dma_start3A_425] : memref<16384x56x128xf32, #tpu.memory_space<hbm>> -> memref<1x50x32xf32, #tpu.memory_space<hbm>>
      %dma_start3A_427 = tpu.memref_squeeze %dma_start3A_426 : memref<1x50x32xf32, #tpu.memory_space<hbm>> -> memref<50x32xf32, #tpu.memory_space<hbm>>
      %dma_start3A_428 = arith.constant 0 : i32
      %dma_start3A_429 = arith.constant 0 : i32
      %dma_start3A_430 = tpu.memref_slice %arg4[%add3A_420, %dma_start3A_428, %dma_start3A_429] : memref<16384x56x128xf32, #tpu.memory_space<hbm>> -> memref<1x50x32xf32, #tpu.memory_space<hbm>>
      %dma_start3A_431 = tpu.memref_squeeze %dma_start3A_430 : memref<1x50x32xf32, #tpu.memory_space<hbm>> -> memref<50x32xf32, #tpu.memory_space<hbm>>
      %dma_start3A_432 = arith.constant 50 : i32
      %dma_start3A_433 = arith.constant 0 : i32
      %dma_start3A_434 = tpu.memref_slice %arg9[%dma_start3A_432, %dma_start3A_433] : memref<400x32xf32, #tpu.memory_space<vmem>> -> memref<50x32xf32, #tpu.memory_space<vmem>>
      tpu.enqueue_dma source(%dma_start3A_434 : memref<50x32xf32, #tpu.memory_space<vmem>>) target(%dma_start3A_431 : memref<50x32xf32, #tpu.memory_space<hbm>>) target_semaphore(%arg17 : memref<!tpu.dma_semaphore, #tpu.memory_space<semaphore_mem>>)
      %mul3A_435 = arith.constant 8 : i32
      %mul3A_436 = arith.muli %add3A_390, %mul3A_435 : i32
      %add3A_437 = arith.addi %mul3A_2, %mul3A_436 : i32
      %add3A_438 = arith.constant 2 : i32
      %add3A_439 = arith.addi %add3A_437, %add3A_438 : i32
      %dma_start3A_440 = arith.constant 100 : i32
      %dma_start3A_441 = arith.constant 0 : i32
      %dma_start3A_442 = tpu.memref_slice %arg9[%dma_start3A_440, %dma_start3A_441] : memref<400x32xf32, #tpu.memory_space<vmem>> -> memref<50x32xf32, #tpu.memory_space<vmem>>
      %dma_start3A_443 = arith.constant 0 : i32
      %dma_start3A_444 = arith.constant 0 : i32
      %dma_start3A_445 = tpu.memref_slice %arg4[%add3A_439, %dma_start3A_443, %dma_start3A_444] : memref<16384x56x128xf32, #tpu.memory_space<hbm>> -> memref<1x50x32xf32, #tpu.memory_space<hbm>>
      %dma_start3A_446 = tpu.memref_squeeze %dma_start3A_445 : memref<1x50x32xf32, #tpu.memory_space<hbm>> -> memref<50x32xf32, #tpu.memory_space<hbm>>
      %dma_start3A_447 = arith.constant 0 : i32
      %dma_start3A_448 = arith.constant 0 : i32
      %dma_start3A_449 = tpu.memref_slice %arg4[%add3A_439, %dma_start3A_447, %dma_start3A_448] : memref<16384x56x128xf32, #tpu.memory_space<hbm>> -> memref<1x50x32xf32, #tpu.memory_space<hbm>>
      %dma_start3A_450 = tpu.memref_squeeze %dma_start3A_449 : memref<1x50x32xf32, #tpu.memory_space<hbm>> -> memref<50x32xf32, #tpu.memory_space<hbm>>
      %dma_start3A_451 = arith.constant 100 : i32
      %dma_start3A_452 = arith.constant 0 : i32
      %dma_start3A_453 = tpu.memref_slice %arg9[%dma_start3A_451, %dma_start3A_452] : memref<400x32xf32, #tpu.memory_space<vmem>> -> memref<50x32xf32, #tpu.memory_space<vmem>>
      tpu.enqueue_dma source(%dma_start3A_453 : memref<50x32xf32, #tpu.memory_space<vmem>>) target(%dma_start3A_450 : memref<50x32xf32, #tpu.memory_space<hbm>>) target_semaphore(%arg17 : memref<!tpu.dma_semaphore, #tpu.memory_space<semaphore_mem>>)
      %mul3A_454 = arith.constant 8 : i32
      %mul3A_455 = arith.muli %add3A_390, %mul3A_454 : i32
      %add3A_456 = arith.addi %mul3A_2, %mul3A_455 : i32
      %add3A_457 = arith.constant 3 : i32
      %add3A_458 = arith.addi %add3A_456, %add3A_457 : i32
      %dma_start3A_459 = arith.constant 150 : i32
      %dma_start3A_460 = arith.constant 0 : i32
      %dma_start3A_461 = tpu.memref_slice %arg9[%dma_start3A_459, %dma_start3A_460] : memref<400x32xf32, #tpu.memory_space<vmem>> -> memref<50x32xf32, #tpu.memory_space<vmem>>
      %dma_start3A_462 = arith.constant 0 : i32
      %dma_start3A_463 = arith.constant 0 : i32
      %dma_start3A_464 = tpu.memref_slice %arg4[%add3A_458, %dma_start3A_462, %dma_start3A_463] : memref<16384x56x128xf32, #tpu.memory_space<hbm>> -> memref<1x50x32xf32, #tpu.memory_space<hbm>>
      %dma_start3A_465 = tpu.memref_squeeze %dma_start3A_464 : memref<1x50x32xf32, #tpu.memory_space<hbm>> -> memref<50x32xf32, #tpu.memory_space<hbm>>
      %dma_start3A_466 = arith.constant 0 : i32
      %dma_start3A_467 = arith.constant 0 : i32
      %dma_start3A_468 = tpu.memref_slice %arg4[%add3A_458, %dma_start3A_466, %dma_start3A_467] : memref<16384x56x128xf32, #tpu.memory_space<hbm>> -> memref<1x50x32xf32, #tpu.memory_space<hbm>>
      %dma_start3A_469 = tpu.memref_squeeze %dma_start3A_468 : memref<1x50x32xf32, #tpu.memory_space<hbm>> -> memref<50x32xf32, #tpu.memory_space<hbm>>
      %dma_start3A_470 = arith.constant 150 : i32
      %dma_start3A_471 = arith.constant 0 : i32
      %dma_start3A_472 = tpu.memref_slice %arg9[%dma_start3A_470, %dma_start3A_471] : memref<400x32xf32, #tpu.memory_space<vmem>> -> memref<50x32xf32, #tpu.memory_space<vmem>>
      tpu.enqueue_dma source(%dma_start3A_472 : memref<50x32xf32, #tpu.memory_space<vmem>>) target(%dma_start3A_469 : memref<50x32xf32, #tpu.memory_space<hbm>>) target_semaphore(%arg17 : memref<!tpu.dma_semaphore, #tpu.memory_space<semaphore_mem>>)
      %mul3A_473 = arith.constant 8 : i32
      %mul3A_474 = arith.muli %add3A_390, %mul3A_473 : i32
      %add3A_475 = arith.addi %mul3A_2, %mul3A_474 : i32
      %add3A_476 = arith.constant 4 : i32
      %add3A_477 = arith.addi %add3A_475, %add3A_476 : i32
      %dma_start3A_478 = arith.constant 200 : i32
      %dma_start3A_479 = arith.constant 0 : i32
      %dma_start3A_480 = tpu.memref_slice %arg9[%dma_start3A_478, %dma_start3A_479] : memref<400x32xf32, #tpu.memory_space<vmem>> -> memref<50x32xf32, #tpu.memory_space<vmem>>
      %dma_start3A_481 = arith.constant 0 : i32
      %dma_start3A_482 = arith.constant 0 : i32
      %dma_start3A_483 = tpu.memref_slice %arg4[%add3A_477, %dma_start3A_481, %dma_start3A_482] : memref<16384x56x128xf32, #tpu.memory_space<hbm>> -> memref<1x50x32xf32, #tpu.memory_space<hbm>>
      %dma_start3A_484 = tpu.memref_squeeze %dma_start3A_483 : memref<1x50x32xf32, #tpu.memory_space<hbm>> -> memref<50x32xf32, #tpu.memory_space<hbm>>
      %dma_start3A_485 = arith.constant 0 : i32
      %dma_start3A_486 = arith.constant 0 : i32
      %dma_start3A_487 = tpu.memref_slice %arg4[%add3A_477, %dma_start3A_485, %dma_start3A_486] : memref<16384x56x128xf32, #tpu.memory_space<hbm>> -> memref<1x50x32xf32, #tpu.memory_space<hbm>>
      %dma_start3A_488 = tpu.memref_squeeze %dma_start3A_487 : memref<1x50x32xf32, #tpu.memory_space<hbm>> -> memref<50x32xf32, #tpu.memory_space<hbm>>
      %dma_start3A_489 = arith.constant 200 : i32
      %dma_start3A_490 = arith.constant 0 : i32
      %dma_start3A_491 = tpu.memref_slice %arg9[%dma_start3A_489, %dma_start3A_490] : memref<400x32xf32, #tpu.memory_space<vmem>> -> memref<50x32xf32, #tpu.memory_space<vmem>>
      tpu.enqueue_dma source(%dma_start3A_491 : memref<50x32xf32, #tpu.memory_space<vmem>>) target(%dma_start3A_488 : memref<50x32xf32, #tpu.memory_space<hbm>>) target_semaphore(%arg17 : memref<!tpu.dma_semaphore, #tpu.memory_space<semaphore_mem>>)
      %mul3A_492 = arith.constant 8 : i32
      %mul3A_493 = arith.muli %add3A_390, %mul3A_492 : i32
      %add3A_494 = arith.addi %mul3A_2, %mul3A_493 : i32
      %add3A_495 = arith.constant 5 : i32
      %add3A_496 = arith.addi %add3A_494, %add3A_495 : i32
      %dma_start3A_497 = arith.constant 250 : i32
      %dma_start3A_498 = arith.constant 0 : i32
      %dma_start3A_499 = tpu.memref_slice %arg9[%dma_start3A_497, %dma_start3A_498] : memref<400x32xf32, #tpu.memory_space<vmem>> -> memref<50x32xf32, #tpu.memory_space<vmem>>
      %dma_start3A_500 = arith.constant 0 : i32
      %dma_start3A_501 = arith.constant 0 : i32
      %dma_start3A_502 = tpu.memref_slice %arg4[%add3A_496, %dma_start3A_500, %dma_start3A_501] : memref<16384x56x128xf32, #tpu.memory_space<hbm>> -> memref<1x50x32xf32, #tpu.memory_space<hbm>>
      %dma_start3A_503 = tpu.memref_squeeze %dma_start3A_502 : memref<1x50x32xf32, #tpu.memory_space<hbm>> -> memref<50x32xf32, #tpu.memory_space<hbm>>
      %dma_start3A_504 = arith.constant 0 : i32
      %dma_start3A_505 = arith.constant 0 : i32
      %dma_start3A_506 = tpu.memref_slice %arg4[%add3A_496, %dma_start3A_504, %dma_start3A_505] : memref<16384x56x128xf32, #tpu.memory_space<hbm>> -> memref<1x50x32xf32, #tpu.memory_space<hbm>>
      %dma_start3A_507 = tpu.memref_squeeze %dma_start3A_506 : memref<1x50x32xf32, #tpu.memory_space<hbm>> -> memref<50x32xf32, #tpu.memory_space<hbm>>
      %dma_start3A_508 = arith.constant 250 : i32
      %dma_start3A_509 = arith.constant 0 : i32
      %dma_start3A_510 = tpu.memref_slice %arg9[%dma_start3A_508, %dma_start3A_509] : memref<400x32xf32, #tpu.memory_space<vmem>> -> memref<50x32xf32, #tpu.memory_space<vmem>>
      tpu.enqueue_dma source(%dma_start3A_510 : memref<50x32xf32, #tpu.memory_space<vmem>>) target(%dma_start3A_507 : memref<50x32xf32, #tpu.memory_space<hbm>>) target_semaphore(%arg17 : memref<!tpu.dma_semaphore, #tpu.memory_space<semaphore_mem>>)
      %mul3A_511 = arith.constant 8 : i32
      %mul3A_512 = arith.muli %add3A_390, %mul3A_511 : i32
      %add3A_513 = arith.addi %mul3A_2, %mul3A_512 : i32
      %add3A_514 = arith.constant 6 : i32
      %add3A_515 = arith.addi %add3A_513, %add3A_514 : i32
      %dma_start3A_516 = arith.constant 300 : i32
      %dma_start3A_517 = arith.constant 0 : i32
      %dma_start3A_518 = tpu.memref_slice %arg9[%dma_start3A_516, %dma_start3A_517] : memref<400x32xf32, #tpu.memory_space<vmem>> -> memref<50x32xf32, #tpu.memory_space<vmem>>
      %dma_start3A_519 = arith.constant 0 : i32
      %dma_start3A_520 = arith.constant 0 : i32
      %dma_start3A_521 = tpu.memref_slice %arg4[%add3A_515, %dma_start3A_519, %dma_start3A_520] : memref<16384x56x128xf32, #tpu.memory_space<hbm>> -> memref<1x50x32xf32, #tpu.memory_space<hbm>>
      %dma_start3A_522 = tpu.memref_squeeze %dma_start3A_521 : memref<1x50x32xf32, #tpu.memory_space<hbm>> -> memref<50x32xf32, #tpu.memory_space<hbm>>
      %dma_start3A_523 = arith.constant 0 : i32
      %dma_start3A_524 = arith.constant 0 : i32
      %dma_start3A_525 = tpu.memref_slice %arg4[%add3A_515, %dma_start3A_523, %dma_start3A_524] : memref<16384x56x128xf32, #tpu.memory_space<hbm>> -> memref<1x50x32xf32, #tpu.memory_space<hbm>>
      %dma_start3A_526 = tpu.memref_squeeze %dma_start3A_525 : memref<1x50x32xf32, #tpu.memory_space<hbm>> -> memref<50x32xf32, #tpu.memory_space<hbm>>
      %dma_start3A_527 = arith.constant 300 : i32
      %dma_start3A_528 = arith.constant 0 : i32
      %dma_start3A_529 = tpu.memref_slice %arg9[%dma_start3A_527, %dma_start3A_528] : memref<400x32xf32, #tpu.memory_space<vmem>> -> memref<50x32xf32, #tpu.memory_space<vmem>>
      tpu.enqueue_dma source(%dma_start3A_529 : memref<50x32xf32, #tpu.memory_space<vmem>>) target(%dma_start3A_526 : memref<50x32xf32, #tpu.memory_space<hbm>>) target_semaphore(%arg17 : memref<!tpu.dma_semaphore, #tpu.memory_space<semaphore_mem>>)
      %mul3A_530 = arith.constant 8 : i32
      %mul3A_531 = arith.muli %add3A_390, %mul3A_530 : i32
      %add3A_532 = arith.addi %mul3A_2, %mul3A_531 : i32
      %add3A_533 = arith.constant 7 : i32
      %add3A_534 = arith.addi %add3A_532, %add3A_533 : i32
      %dma_start3A_535 = arith.constant 350 : i32
      %dma_start3A_536 = arith.constant 0 : i32
      %dma_start3A_537 = tpu.memref_slice %arg9[%dma_start3A_535, %dma_start3A_536] : memref<400x32xf32, #tpu.memory_space<vmem>> -> memref<50x32xf32, #tpu.memory_space<vmem>>
      %dma_start3A_538 = arith.constant 0 : i32
      %dma_start3A_539 = arith.constant 0 : i32
      %dma_start3A_540 = tpu.memref_slice %arg4[%add3A_534, %dma_start3A_538, %dma_start3A_539] : memref<16384x56x128xf32, #tpu.memory_space<hbm>> -> memref<1x50x32xf32, #tpu.memory_space<hbm>>
      %dma_start3A_541 = tpu.memref_squeeze %dma_start3A_540 : memref<1x50x32xf32, #tpu.memory_space<hbm>> -> memref<50x32xf32, #tpu.memory_space<hbm>>
      %dma_start3A_542 = arith.constant 0 : i32
      %dma_start3A_543 = arith.constant 0 : i32
      %dma_start3A_544 = tpu.memref_slice %arg4[%add3A_534, %dma_start3A_542, %dma_start3A_543] : memref<16384x56x128xf32, #tpu.memory_space<hbm>> -> memref<1x50x32xf32, #tpu.memory_space<hbm>>
      %dma_start3A_545 = tpu.memref_squeeze %dma_start3A_544 : memref<1x50x32xf32, #tpu.memory_space<hbm>> -> memref<50x32xf32, #tpu.memory_space<hbm>>
      %dma_start3A_546 = arith.constant 350 : i32
      %dma_start3A_547 = arith.constant 0 : i32
      %dma_start3A_548 = tpu.memref_slice %arg9[%dma_start3A_546, %dma_start3A_547] : memref<400x32xf32, #tpu.memory_space<vmem>> -> memref<50x32xf32, #tpu.memory_space<vmem>>
      tpu.enqueue_dma source(%dma_start3A_548 : memref<50x32xf32, #tpu.memory_space<vmem>>) target(%dma_start3A_545 : memref<50x32xf32, #tpu.memory_space<hbm>>) target_semaphore(%arg17 : memref<!tpu.dma_semaphore, #tpu.memory_space<semaphore_mem>>)
      %gt3A_549 = arith.constant 0 : i32
      %gt3A_550 = arith.cmpi sgt, %add3A_390, %gt3A_549 : i32
      %convert_element_type3A_551 = arith.extui %gt3A_550 : i1 to i32
      %cond3A_552 = arith.constant 0 : i32
      %cond3A_553 = arith.cmpi ne, %convert_element_type3A_551, %cond3A_552 : i32
      scf.if %cond3A_553 {
        %dma_wait3A_739 = arith.constant 0 : i32
        %dma_wait3A_740 = arith.constant 0 : i32
        %dma_wait3A_741 = tpu.memref_slice %arg3[%dma_wait3A_739, %dma_wait3A_740] : memref<1000004x32xf32, #tpu.memory_space<hbm>> -> memref<400x32xf32, #tpu.memory_space<hbm>>
        %dma_wait3A_742 = arith.constant 0 : i32
        %dma_wait3A_743 = arith.constant 0 : i32
        %dma_wait3A_744 = tpu.memref_slice %arg3[%dma_wait3A_742, %dma_wait3A_743] : memref<1000004x32xf32, #tpu.memory_space<hbm>> -> memref<400x32xf32, #tpu.memory_space<hbm>>
        tpu.wait_dma2 semaphore(%arg16 : memref<!tpu.dma_semaphore, #tpu.memory_space<semaphore_mem>>) src(%arg8 : memref<400x32xf32, #tpu.memory_space<vmem>>) dst(%dma_wait3A_744 : memref<400x32xf32, #tpu.memory_space<hbm>>)
      } else {
      }
      %add3A_554 = arith.constant 4 : i32
      %add3A_555 = arith.addi %add3A_390, %add3A_554 : i32
      %sub3A_556 = arith.constant 1 : i32
      %sub3A_557 = arith.subi %add3A_555, %sub3A_556 : i32
      %lt3A_558 = arith.constant 64 : i32
      %lt3A_559 = arith.cmpi slt, %sub3A_557, %lt3A_558 : i32
      %convert_element_type3A_560 = arith.extui %lt3A_559 : i1 to i32
      %cond3A_561 = arith.constant 0 : i32
      %cond3A_562 = arith.cmpi ne, %convert_element_type3A_560, %cond3A_561 : i32
      scf.if %cond3A_562 {
        %add3A_739 = arith.constant 4 : i32
        %add3A_740 = arith.addi %add3A_390, %add3A_739 : i32
        %sub3A_741 = arith.constant 1 : i32
        %sub3A_742 = arith.subi %add3A_740, %sub3A_741 : i32
        %dma_start3A_743 = arith.constant 0 : i32
        %dma_start3A_744 = tpu.memref_slice %arg6[%sub3A_742, %dma_start3A_743] : memref<64x400xi32, #tpu.memory_space<vmem>> -> memref<1x400xi32, #tpu.memory_space<vmem>>
        %dma_start3A_745 = tpu.memref_squeeze %dma_start3A_744 : memref<1x400xi32, #tpu.memory_space<vmem>> -> memref<400xi32, #tpu.memory_space<vmem>>
        %dma_start3A_746 = arith.constant 0 : i32
        %dma_start3A_747 = arith.constant 0 : i32
        %dma_start3A_748 = tpu.memref_slice %arg3[%dma_start3A_746, %dma_start3A_747] : memref<1000004x32xf32, #tpu.memory_space<hbm>> -> memref<1000004x32xf32, #tpu.memory_space<hbm>>
        tpu.enqueue_indirect_dma source(%dma_start3A_748 : memref<1000004x32xf32, #tpu.memory_space<hbm>>) target(%arg8 : memref<400x32xf32, #tpu.memory_space<vmem>>) offsets(%dma_start3A_745 : memref<400xi32, #tpu.memory_space<vmem>>) semaphore(%arg12 : memref<!tpu.dma_semaphore, #tpu.memory_space<semaphore_mem>>)
      } else {
      }
      %mul3A_563 = arith.constant 4 : i32
      %mul3A_564 = arith.muli %scan3A_39, %mul3A_563 : i32
      %add3A_565 = arith.constant 3 : i32
      %add3A_566 = arith.addi %mul3A_564, %add3A_565 : i32
      %dma_wait3A_567 = arith.constant 0 : i32
      %dma_wait3A_568 = arith.constant 0 : i32
      %dma_wait3A_569 = tpu.memref_slice %arg3[%dma_wait3A_567, %dma_wait3A_568] : memref<1000004x32xf32, #tpu.memory_space<hbm>> -> memref<400x32xf32, #tpu.memory_space<hbm>>
      %dma_wait3A_570 = arith.constant 0 : i32
      %dma_wait3A_571 = arith.constant 0 : i32
      %dma_wait3A_572 = tpu.memref_slice %arg3[%dma_wait3A_570, %dma_wait3A_571] : memref<1000004x32xf32, #tpu.memory_space<hbm>> -> memref<400x32xf32, #tpu.memory_space<hbm>>
      tpu.wait_dma2 semaphore(%arg14 : memref<!tpu.dma_semaphore, #tpu.memory_space<semaphore_mem>>) src(%dma_wait3A_572 : memref<400x32xf32, #tpu.memory_space<hbm>>) dst(%arg10 : memref<400x32xf32, #tpu.memory_space<vmem>>)
      %mul3A_573 = arith.constant 8 : i32
      %mul3A_574 = arith.muli %add3A_566, %mul3A_573 : i32
      %add3A_575 = arith.addi %mul3A_2, %mul3A_574 : i32
      %add3A_576 = arith.constant 0 : i32
      %add3A_577 = arith.addi %add3A_575, %add3A_576 : i32
      %dma_start3A_578 = arith.constant 0 : i32
      %dma_start3A_579 = arith.constant 0 : i32
      %dma_start3A_580 = tpu.memref_slice %arg10[%dma_start3A_578, %dma_start3A_579] : memref<400x32xf32, #tpu.memory_space<vmem>> -> memref<50x32xf32, #tpu.memory_space<vmem>>
      %dma_start3A_581 = arith.constant 0 : i32
      %dma_start3A_582 = arith.constant 0 : i32
      %dma_start3A_583 = tpu.memref_slice %arg4[%add3A_577, %dma_start3A_581, %dma_start3A_582] : memref<16384x56x128xf32, #tpu.memory_space<hbm>> -> memref<1x50x32xf32, #tpu.memory_space<hbm>>
      %dma_start3A_584 = tpu.memref_squeeze %dma_start3A_583 : memref<1x50x32xf32, #tpu.memory_space<hbm>> -> memref<50x32xf32, #tpu.memory_space<hbm>>
      %dma_start3A_585 = arith.constant 0 : i32
      %dma_start3A_586 = arith.constant 0 : i32
      %dma_start3A_587 = tpu.memref_slice %arg4[%add3A_577, %dma_start3A_585, %dma_start3A_586] : memref<16384x56x128xf32, #tpu.memory_space<hbm>> -> memref<1x50x32xf32, #tpu.memory_space<hbm>>
      %dma_start3A_588 = tpu.memref_squeeze %dma_start3A_587 : memref<1x50x32xf32, #tpu.memory_space<hbm>> -> memref<50x32xf32, #tpu.memory_space<hbm>>
      %dma_start3A_589 = arith.constant 0 : i32
      %dma_start3A_590 = arith.constant 0 : i32
      %dma_start3A_591 = tpu.memref_slice %arg10[%dma_start3A_589, %dma_start3A_590] : memref<400x32xf32, #tpu.memory_space<vmem>> -> memref<50x32xf32, #tpu.memory_space<vmem>>
      tpu.enqueue_dma source(%dma_start3A_591 : memref<50x32xf32, #tpu.memory_space<vmem>>) target(%dma_start3A_588 : memref<50x32xf32, #tpu.memory_space<hbm>>) target_semaphore(%arg18 : memref<!tpu.dma_semaphore, #tpu.memory_space<semaphore_mem>>)
      %mul3A_592 = arith.constant 8 : i32
      %mul3A_593 = arith.muli %add3A_566, %mul3A_592 : i32
      %add3A_594 = arith.addi %mul3A_2, %mul3A_593 : i32
      %add3A_595 = arith.constant 1 : i32
      %add3A_596 = arith.addi %add3A_594, %add3A_595 : i32
      %dma_start3A_597 = arith.constant 50 : i32
      %dma_start3A_598 = arith.constant 0 : i32
      %dma_start3A_599 = tpu.memref_slice %arg10[%dma_start3A_597, %dma_start3A_598] : memref<400x32xf32, #tpu.memory_space<vmem>> -> memref<50x32xf32, #tpu.memory_space<vmem>>
      %dma_start3A_600 = arith.constant 0 : i32
      %dma_start3A_601 = arith.constant 0 : i32
      %dma_start3A_602 = tpu.memref_slice %arg4[%add3A_596, %dma_start3A_600, %dma_start3A_601] : memref<16384x56x128xf32, #tpu.memory_space<hbm>> -> memref<1x50x32xf32, #tpu.memory_space<hbm>>
      %dma_start3A_603 = tpu.memref_squeeze %dma_start3A_602 : memref<1x50x32xf32, #tpu.memory_space<hbm>> -> memref<50x32xf32, #tpu.memory_space<hbm>>
      %dma_start3A_604 = arith.constant 0 : i32
      %dma_start3A_605 = arith.constant 0 : i32
      %dma_start3A_606 = tpu.memref_slice %arg4[%add3A_596, %dma_start3A_604, %dma_start3A_605] : memref<16384x56x128xf32, #tpu.memory_space<hbm>> -> memref<1x50x32xf32, #tpu.memory_space<hbm>>
      %dma_start3A_607 = tpu.memref_squeeze %dma_start3A_606 : memref<1x50x32xf32, #tpu.memory_space<hbm>> -> memref<50x32xf32, #tpu.memory_space<hbm>>
      %dma_start3A_608 = arith.constant 50 : i32
      %dma_start3A_609 = arith.constant 0 : i32
      %dma_start3A_610 = tpu.memref_slice %arg10[%dma_start3A_608, %dma_start3A_609] : memref<400x32xf32, #tpu.memory_space<vmem>> -> memref<50x32xf32, #tpu.memory_space<vmem>>
      tpu.enqueue_dma source(%dma_start3A_610 : memref<50x32xf32, #tpu.memory_space<vmem>>) target(%dma_start3A_607 : memref<50x32xf32, #tpu.memory_space<hbm>>) target_semaphore(%arg18 : memref<!tpu.dma_semaphore, #tpu.memory_space<semaphore_mem>>)
      %mul3A_611 = arith.constant 8 : i32
      %mul3A_612 = arith.muli %add3A_566, %mul3A_611 : i32
      %add3A_613 = arith.addi %mul3A_2, %mul3A_612 : i32
      %add3A_614 = arith.constant 2 : i32
      %add3A_615 = arith.addi %add3A_613, %add3A_614 : i32
      %dma_start3A_616 = arith.constant 100 : i32
      %dma_start3A_617 = arith.constant 0 : i32
      %dma_start3A_618 = tpu.memref_slice %arg10[%dma_start3A_616, %dma_start3A_617] : memref<400x32xf32, #tpu.memory_space<vmem>> -> memref<50x32xf32, #tpu.memory_space<vmem>>
      %dma_start3A_619 = arith.constant 0 : i32
      %dma_start3A_620 = arith.constant 0 : i32
      %dma_start3A_621 = tpu.memref_slice %arg4[%add3A_615, %dma_start3A_619, %dma_start3A_620] : memref<16384x56x128xf32, #tpu.memory_space<hbm>> -> memref<1x50x32xf32, #tpu.memory_space<hbm>>
      %dma_start3A_622 = tpu.memref_squeeze %dma_start3A_621 : memref<1x50x32xf32, #tpu.memory_space<hbm>> -> memref<50x32xf32, #tpu.memory_space<hbm>>
      %dma_start3A_623 = arith.constant 0 : i32
      %dma_start3A_624 = arith.constant 0 : i32
      %dma_start3A_625 = tpu.memref_slice %arg4[%add3A_615, %dma_start3A_623, %dma_start3A_624] : memref<16384x56x128xf32, #tpu.memory_space<hbm>> -> memref<1x50x32xf32, #tpu.memory_space<hbm>>
      %dma_start3A_626 = tpu.memref_squeeze %dma_start3A_625 : memref<1x50x32xf32, #tpu.memory_space<hbm>> -> memref<50x32xf32, #tpu.memory_space<hbm>>
      %dma_start3A_627 = arith.constant 100 : i32
      %dma_start3A_628 = arith.constant 0 : i32
      %dma_start3A_629 = tpu.memref_slice %arg10[%dma_start3A_627, %dma_start3A_628] : memref<400x32xf32, #tpu.memory_space<vmem>> -> memref<50x32xf32, #tpu.memory_space<vmem>>
      tpu.enqueue_dma source(%dma_start3A_629 : memref<50x32xf32, #tpu.memory_space<vmem>>) target(%dma_start3A_626 : memref<50x32xf32, #tpu.memory_space<hbm>>) target_semaphore(%arg18 : memref<!tpu.dma_semaphore, #tpu.memory_space<semaphore_mem>>)
      %mul3A_630 = arith.constant 8 : i32
      %mul3A_631 = arith.muli %add3A_566, %mul3A_630 : i32
      %add3A_632 = arith.addi %mul3A_2, %mul3A_631 : i32
      %add3A_633 = arith.constant 3 : i32
      %add3A_634 = arith.addi %add3A_632, %add3A_633 : i32
      %dma_start3A_635 = arith.constant 150 : i32
      %dma_start3A_636 = arith.constant 0 : i32
      %dma_start3A_637 = tpu.memref_slice %arg10[%dma_start3A_635, %dma_start3A_636] : memref<400x32xf32, #tpu.memory_space<vmem>> -> memref<50x32xf32, #tpu.memory_space<vmem>>
      %dma_start3A_638 = arith.constant 0 : i32
      %dma_start3A_639 = arith.constant 0 : i32
      %dma_start3A_640 = tpu.memref_slice %arg4[%add3A_634, %dma_start3A_638, %dma_start3A_639] : memref<16384x56x128xf32, #tpu.memory_space<hbm>> -> memref<1x50x32xf32, #tpu.memory_space<hbm>>
      %dma_start3A_641 = tpu.memref_squeeze %dma_start3A_640 : memref<1x50x32xf32, #tpu.memory_space<hbm>> -> memref<50x32xf32, #tpu.memory_space<hbm>>
      %dma_start3A_642 = arith.constant 0 : i32
      %dma_start3A_643 = arith.constant 0 : i32
      %dma_start3A_644 = tpu.memref_slice %arg4[%add3A_634, %dma_start3A_642, %dma_start3A_643] : memref<16384x56x128xf32, #tpu.memory_space<hbm>> -> memref<1x50x32xf32, #tpu.memory_space<hbm>>
      %dma_start3A_645 = tpu.memref_squeeze %dma_start3A_644 : memref<1x50x32xf32, #tpu.memory_space<hbm>> -> memref<50x32xf32, #tpu.memory_space<hbm>>
      %dma_start3A_646 = arith.constant 150 : i32
      %dma_start3A_647 = arith.constant 0 : i32
      %dma_start3A_648 = tpu.memref_slice %arg10[%dma_start3A_646, %dma_start3A_647] : memref<400x32xf32, #tpu.memory_space<vmem>> -> memref<50x32xf32, #tpu.memory_space<vmem>>
      tpu.enqueue_dma source(%dma_start3A_648 : memref<50x32xf32, #tpu.memory_space<vmem>>) target(%dma_start3A_645 : memref<50x32xf32, #tpu.memory_space<hbm>>) target_semaphore(%arg18 : memref<!tpu.dma_semaphore, #tpu.memory_space<semaphore_mem>>)
      %mul3A_649 = arith.constant 8 : i32
      %mul3A_650 = arith.muli %add3A_566, %mul3A_649 : i32
      %add3A_651 = arith.addi %mul3A_2, %mul3A_650 : i32
      %add3A_652 = arith.constant 4 : i32
      %add3A_653 = arith.addi %add3A_651, %add3A_652 : i32
      %dma_start3A_654 = arith.constant 200 : i32
      %dma_start3A_655 = arith.constant 0 : i32
      %dma_start3A_656 = tpu.memref_slice %arg10[%dma_start3A_654, %dma_start3A_655] : memref<400x32xf32, #tpu.memory_space<vmem>> -> memref<50x32xf32, #tpu.memory_space<vmem>>
      %dma_start3A_657 = arith.constant 0 : i32
      %dma_start3A_658 = arith.constant 0 : i32
      %dma_start3A_659 = tpu.memref_slice %arg4[%add3A_653, %dma_start3A_657, %dma_start3A_658] : memref<16384x56x128xf32, #tpu.memory_space<hbm>> -> memref<1x50x32xf32, #tpu.memory_space<hbm>>
      %dma_start3A_660 = tpu.memref_squeeze %dma_start3A_659 : memref<1x50x32xf32, #tpu.memory_space<hbm>> -> memref<50x32xf32, #tpu.memory_space<hbm>>
      %dma_start3A_661 = arith.constant 0 : i32
      %dma_start3A_662 = arith.constant 0 : i32
      %dma_start3A_663 = tpu.memref_slice %arg4[%add3A_653, %dma_start3A_661, %dma_start3A_662] : memref<16384x56x128xf32, #tpu.memory_space<hbm>> -> memref<1x50x32xf32, #tpu.memory_space<hbm>>
      %dma_start3A_664 = tpu.memref_squeeze %dma_start3A_663 : memref<1x50x32xf32, #tpu.memory_space<hbm>> -> memref<50x32xf32, #tpu.memory_space<hbm>>
      %dma_start3A_665 = arith.constant 200 : i32
      %dma_start3A_666 = arith.constant 0 : i32
      %dma_start3A_667 = tpu.memref_slice %arg10[%dma_start3A_665, %dma_start3A_666] : memref<400x32xf32, #tpu.memory_space<vmem>> -> memref<50x32xf32, #tpu.memory_space<vmem>>
      tpu.enqueue_dma source(%dma_start3A_667 : memref<50x32xf32, #tpu.memory_space<vmem>>) target(%dma_start3A_664 : memref<50x32xf32, #tpu.memory_space<hbm>>) target_semaphore(%arg18 : memref<!tpu.dma_semaphore, #tpu.memory_space<semaphore_mem>>)
      %mul3A_668 = arith.constant 8 : i32
      %mul3A_669 = arith.muli %add3A_566, %mul3A_668 : i32
      %add3A_670 = arith.addi %mul3A_2, %mul3A_669 : i32
      %add3A_671 = arith.constant 5 : i32
      %add3A_672 = arith.addi %add3A_670, %add3A_671 : i32
      %dma_start3A_673 = arith.constant 250 : i32
      %dma_start3A_674 = arith.constant 0 : i32
      %dma_start3A_675 = tpu.memref_slice %arg10[%dma_start3A_673, %dma_start3A_674] : memref<400x32xf32, #tpu.memory_space<vmem>> -> memref<50x32xf32, #tpu.memory_space<vmem>>
      %dma_start3A_676 = arith.constant 0 : i32
      %dma_start3A_677 = arith.constant 0 : i32
      %dma_start3A_678 = tpu.memref_slice %arg4[%add3A_672, %dma_start3A_676, %dma_start3A_677] : memref<16384x56x128xf32, #tpu.memory_space<hbm>> -> memref<1x50x32xf32, #tpu.memory_space<hbm>>
      %dma_start3A_679 = tpu.memref_squeeze %dma_start3A_678 : memref<1x50x32xf32, #tpu.memory_space<hbm>> -> memref<50x32xf32, #tpu.memory_space<hbm>>
      %dma_start3A_680 = arith.constant 0 : i32
      %dma_start3A_681 = arith.constant 0 : i32
      %dma_start3A_682 = tpu.memref_slice %arg4[%add3A_672, %dma_start3A_680, %dma_start3A_681] : memref<16384x56x128xf32, #tpu.memory_space<hbm>> -> memref<1x50x32xf32, #tpu.memory_space<hbm>>
      %dma_start3A_683 = tpu.memref_squeeze %dma_start3A_682 : memref<1x50x32xf32, #tpu.memory_space<hbm>> -> memref<50x32xf32, #tpu.memory_space<hbm>>
      %dma_start3A_684 = arith.constant 250 : i32
      %dma_start3A_685 = arith.constant 0 : i32
      %dma_start3A_686 = tpu.memref_slice %arg10[%dma_start3A_684, %dma_start3A_685] : memref<400x32xf32, #tpu.memory_space<vmem>> -> memref<50x32xf32, #tpu.memory_space<vmem>>
      tpu.enqueue_dma source(%dma_start3A_686 : memref<50x32xf32, #tpu.memory_space<vmem>>) target(%dma_start3A_683 : memref<50x32xf32, #tpu.memory_space<hbm>>) target_semaphore(%arg18 : memref<!tpu.dma_semaphore, #tpu.memory_space<semaphore_mem>>)
      %mul3A_687 = arith.constant 8 : i32
      %mul3A_688 = arith.muli %add3A_566, %mul3A_687 : i32
      %add3A_689 = arith.addi %mul3A_2, %mul3A_688 : i32
      %add3A_690 = arith.constant 6 : i32
      %add3A_691 = arith.addi %add3A_689, %add3A_690 : i32
      %dma_start3A_692 = arith.constant 300 : i32
      %dma_start3A_693 = arith.constant 0 : i32
      %dma_start3A_694 = tpu.memref_slice %arg10[%dma_start3A_692, %dma_start3A_693] : memref<400x32xf32, #tpu.memory_space<vmem>> -> memref<50x32xf32, #tpu.memory_space<vmem>>
      %dma_start3A_695 = arith.constant 0 : i32
      %dma_start3A_696 = arith.constant 0 : i32
      %dma_start3A_697 = tpu.memref_slice %arg4[%add3A_691, %dma_start3A_695, %dma_start3A_696] : memref<16384x56x128xf32, #tpu.memory_space<hbm>> -> memref<1x50x32xf32, #tpu.memory_space<hbm>>
      %dma_start3A_698 = tpu.memref_squeeze %dma_start3A_697 : memref<1x50x32xf32, #tpu.memory_space<hbm>> -> memref<50x32xf32, #tpu.memory_space<hbm>>
      %dma_start3A_699 = arith.constant 0 : i32
      %dma_start3A_700 = arith.constant 0 : i32
      %dma_start3A_701 = tpu.memref_slice %arg4[%add3A_691, %dma_start3A_699, %dma_start3A_700] : memref<16384x56x128xf32, #tpu.memory_space<hbm>> -> memref<1x50x32xf32, #tpu.memory_space<hbm>>
      %dma_start3A_702 = tpu.memref_squeeze %dma_start3A_701 : memref<1x50x32xf32, #tpu.memory_space<hbm>> -> memref<50x32xf32, #tpu.memory_space<hbm>>
      %dma_start3A_703 = arith.constant 300 : i32
      %dma_start3A_704 = arith.constant 0 : i32
      %dma_start3A_705 = tpu.memref_slice %arg10[%dma_start3A_703, %dma_start3A_704] : memref<400x32xf32, #tpu.memory_space<vmem>> -> memref<50x32xf32, #tpu.memory_space<vmem>>
      tpu.enqueue_dma source(%dma_start3A_705 : memref<50x32xf32, #tpu.memory_space<vmem>>) target(%dma_start3A_702 : memref<50x32xf32, #tpu.memory_space<hbm>>) target_semaphore(%arg18 : memref<!tpu.dma_semaphore, #tpu.memory_space<semaphore_mem>>)
      %mul3A_706 = arith.constant 8 : i32
      %mul3A_707 = arith.muli %add3A_566, %mul3A_706 : i32
      %add3A_708 = arith.addi %mul3A_2, %mul3A_707 : i32
      %add3A_709 = arith.constant 7 : i32
      %add3A_710 = arith.addi %add3A_708, %add3A_709 : i32
      %dma_start3A_711 = arith.constant 350 : i32
      %dma_start3A_712 = arith.constant 0 : i32
      %dma_start3A_713 = tpu.memref_slice %arg10[%dma_start3A_711, %dma_start3A_712] : memref<400x32xf32, #tpu.memory_space<vmem>> -> memref<50x32xf32, #tpu.memory_space<vmem>>
      %dma_start3A_714 = arith.constant 0 : i32
      %dma_start3A_715 = arith.constant 0 : i32
      %dma_start3A_716 = tpu.memref_slice %arg4[%add3A_710, %dma_start3A_714, %dma_start3A_715] : memref<16384x56x128xf32, #tpu.memory_space<hbm>> -> memref<1x50x32xf32, #tpu.memory_space<hbm>>
      %dma_start3A_717 = tpu.memref_squeeze %dma_start3A_716 : memref<1x50x32xf32, #tpu.memory_space<hbm>> -> memref<50x32xf32, #tpu.memory_space<hbm>>
      %dma_start3A_718 = arith.constant 0 : i32
      %dma_start3A_719 = arith.constant 0 : i32
      %dma_start3A_720 = tpu.memref_slice %arg4[%add3A_710, %dma_start3A_718, %dma_start3A_719] : memref<16384x56x128xf32, #tpu.memory_space<hbm>> -> memref<1x50x32xf32, #tpu.memory_space<hbm>>
      %dma_start3A_721 = tpu.memref_squeeze %dma_start3A_720 : memref<1x50x32xf32, #tpu.memory_space<hbm>> -> memref<50x32xf32, #tpu.memory_space<hbm>>
      %dma_start3A_722 = arith.constant 350 : i32
      %dma_start3A_723 = arith.constant 0 : i32
      %dma_start3A_724 = tpu.memref_slice %arg10[%dma_start3A_722, %dma_start3A_723] : memref<400x32xf32, #tpu.memory_space<vmem>> -> memref<50x32xf32, #tpu.memory_space<vmem>>
      tpu.enqueue_dma source(%dma_start3A_724 : memref<50x32xf32, #tpu.memory_space<vmem>>) target(%dma_start3A_721 : memref<50x32xf32, #tpu.memory_space<hbm>>) target_semaphore(%arg18 : memref<!tpu.dma_semaphore, #tpu.memory_space<semaphore_mem>>)
      %gt3A_725 = arith.constant 0 : i32
      %gt3A_726 = arith.cmpi sgt, %add3A_566, %gt3A_725 : i32
      %convert_element_type3A_727 = arith.extui %gt3A_726 : i1 to i32
      %cond3A_728 = arith.constant 0 : i32
      %cond3A_729 = arith.cmpi ne, %convert_element_type3A_727, %cond3A_728 : i32
      scf.if %cond3A_729 {
        %dma_wait3A_739 = arith.constant 0 : i32
        %dma_wait3A_740 = arith.constant 0 : i32
        %dma_wait3A_741 = tpu.memref_slice %arg3[%dma_wait3A_739, %dma_wait3A_740] : memref<1000004x32xf32, #tpu.memory_space<hbm>> -> memref<400x32xf32, #tpu.memory_space<hbm>>
        %dma_wait3A_742 = arith.constant 0 : i32
        %dma_wait3A_743 = arith.constant 0 : i32
        %dma_wait3A_744 = tpu.memref_slice %arg3[%dma_wait3A_742, %dma_wait3A_743] : memref<1000004x32xf32, #tpu.memory_space<hbm>> -> memref<400x32xf32, #tpu.memory_space<hbm>>
        tpu.wait_dma2 semaphore(%arg17 : memref<!tpu.dma_semaphore, #tpu.memory_space<semaphore_mem>>) src(%arg9 : memref<400x32xf32, #tpu.memory_space<vmem>>) dst(%dma_wait3A_744 : memref<400x32xf32, #tpu.memory_space<hbm>>)
      } else {
      }
      %add3A_730 = arith.constant 4 : i32
      %add3A_731 = arith.addi %add3A_566, %add3A_730 : i32
      %sub3A_732 = arith.constant 1 : i32
      %sub3A_733 = arith.subi %add3A_731, %sub3A_732 : i32
      %lt3A_734 = arith.constant 64 : i32
      %lt3A_735 = arith.cmpi slt, %sub3A_733, %lt3A_734 : i32
      %convert_element_type3A_736 = arith.extui %lt3A_735 : i1 to i32
      %cond3A_737 = arith.constant 0 : i32
      %cond3A_738 = arith.cmpi ne, %convert_element_type3A_736, %cond3A_737 : i32
      scf.if %cond3A_738 {
        %add3A_739 = arith.constant 4 : i32
        %add3A_740 = arith.addi %add3A_566, %add3A_739 : i32
        %sub3A_741 = arith.constant 1 : i32
        %sub3A_742 = arith.subi %add3A_740, %sub3A_741 : i32
        %dma_start3A_743 = arith.constant 0 : i32
        %dma_start3A_744 = tpu.memref_slice %arg6[%sub3A_742, %dma_start3A_743] : memref<64x400xi32, #tpu.memory_space<vmem>> -> memref<1x400xi32, #tpu.memory_space<vmem>>
        %dma_start3A_745 = tpu.memref_squeeze %dma_start3A_744 : memref<1x400xi32, #tpu.memory_space<vmem>> -> memref<400xi32, #tpu.memory_space<vmem>>
        %dma_start3A_746 = arith.constant 0 : i32
        %dma_start3A_747 = arith.constant 0 : i32
        %dma_start3A_748 = tpu.memref_slice %arg3[%dma_start3A_746, %dma_start3A_747] : memref<1000004x32xf32, #tpu.memory_space<hbm>> -> memref<1000004x32xf32, #tpu.memory_space<hbm>>
        tpu.enqueue_indirect_dma source(%dma_start3A_748 : memref<1000004x32xf32, #tpu.memory_space<hbm>>) target(%arg9 : memref<400x32xf32, #tpu.memory_space<vmem>>) offsets(%dma_start3A_745 : memref<400xi32, #tpu.memory_space<vmem>>) semaphore(%arg13 : memref<!tpu.dma_semaphore, #tpu.memory_space<semaphore_mem>>)
      } else {
      }
    }
    %scan3A_33 = arith.constant 16 : i32
    %dma_wait3A = arith.constant 0 : i32
    %dma_wait3A_34 = arith.constant 0 : i32
    %dma_wait3A_35 = tpu.memref_slice %arg3[%dma_wait3A, %dma_wait3A_34] : memref<1000004x32xf32, #tpu.memory_space<hbm>> -> memref<400x32xf32, #tpu.memory_space<hbm>>
    %dma_wait3A_36 = arith.constant 0 : i32
    %dma_wait3A_37 = arith.constant 0 : i32
    %dma_wait3A_38 = tpu.memref_slice %arg3[%dma_wait3A_36, %dma_wait3A_37] : memref<1000004x32xf32, #tpu.memory_space<hbm>> -> memref<400x32xf32, #tpu.memory_space<hbm>>
    tpu.wait_dma2 semaphore(%arg18 : memref<!tpu.dma_semaphore, #tpu.memory_space<semaphore_mem>>) src(%arg10 : memref<400x32xf32, #tpu.memory_space<vmem>>) dst(%dma_wait3A_38 : memref<400x32xf32, #tpu.memory_space<hbm>>)
    return
  }
}

</mosaic_0001>

<sc_bundles>
// kernel: kernel.3.cloned.1.call-start
scs
__scs_entry_jumppad:
0x0: {  	(pc) =	sbr.rel $0x88, $3  }
0x1: {  	(tag) =	ssettag $0x0;
	lr =	simm.s32 $0x1  }
0x2: {  	[smem:$0x3F9F] =	sst lr;
	_ =	strace $0xD0000000  }
0x3: {  	_ = 	snop  }
0x4: {  	_ = 	snop  }
0x5: {  	_ = 	snop  }
0x6: {  	_ = 	snop  }
0x7: {  	_ = 	snop  }
__scs_overlays_trampoline_lowered:
0x8: {  	[smem:$0x3FAE] =	sst s0  }
0x9: {  	[smem:$0x3FAF] =	sst s1  }
0xa: {  	[smem:$0x3FB0] =	sst s2  }
0xb: {  	[smem:$0x3FB1] =	sst s3  }
0xc: {  	[smem:$0x3FB2] =	sst s4  }
0xd: {  	[smem:$0x3FB3] =	sst s5  }
0xe: {  	[smem:$0x3FB4] =	sst s6  }
0xf: {  	[smem:$0x3FB5] =	sst s7  }
0x10: {  	[smem:$0x3FB6] =	sst s8  }
0x11: {  	[smem:$0x3FB7] =	sst s9;
	s0 =	simm.s32 @!p0 $0x0  }
0x12: {  	s1 =	sld [smem:$0x3F9D];
	s0 =	simm.s32 @p0 $0x1  }
0x13: {  	[smem:$0x3FB8] =	sst s0;
	s0 =	simm.s32 @!p1 $0x0  }
0x14: {  	s2 =	sld [smem:$0x3F9C];
	s0 =	simm.s32 @p1 $0x1  }
0x15: {  	[smem:$0x3FB9] =	sst s0;
	s0 =	simm.s32 @!p2 $0x0  }
0x16: {  	s3 =	sld [smem:$0x3FDB];
	s0 =	simm.s32 @p2 $0x1  }
0x17: {  	s4 =	simm.s32 $0x1BF5;
	[smem:$0x3FBB] =	sst s0  }
0x18: {  	s0 =	sld [smem:$0x3F9E];
	_ =	swait.ge [sflag:s4], $0x0  }
0x19: {  	s7 =	sld [smem:$0x3F9F]  }
0x1a: {  	s8 =	sadd.s32 $0xFFFFE003, lr  }
0x1b: {  	s9 =	sadd.s32 $0xFFFFFEF7, lr;
	s5 =	simm.s32 $0xFFFFFFFF;
	p2 =	slt.u32 s8, $0xFFFFF086  }
0x1c: {  	p1 =	slt.u32 s9, $0xF7A;
	s5 =	simm.s32 @!p2 $0x0  }
0x1d: {  	s5 =	simm.s32 @p1 $0x1;
	p0 =	seq.s32 s7, s2  }
0x1e: {  	s7 =	smul.u32 @!p0 $0xF7A, s2;
	p2 =	seq.s32 @!p0 s5, $0x0  }
0x1f: {  	s9 =	smul.u32 $0xF7A, s1;
	s8 =	simm.s32 @!p0 $0x1BF5;
	p2 =	por !p2, p0  }
0x20: {  	[sflag:s8] =	ssyncset.s32 @!p0 $0xFFFFF086;
	s6 =	sadd.s32 @!p0 s3, s7;
	s7 =	simm.s32 @!p0 $0x108  }
0x21: {  	s3 =	sadd.s32 s3, s9;
	s6 =	sadd.s32 @!p0 $0x88, s6;
	s7 =	simm.s32 @p2 $0x1082  }
0x22: {  	[simem:s7], [sflag:s8] =	dma.local @!p0 [hbm:s6], $0xF7A  }
0x23: {  	s9 =	sor.u32 $0xD0000000, s2;
	s6 =	simm.s32 $0x108;
	_ =	swait.ge @!p0 [sflag:s8], $0x0  }
0x24: {  	s3 =	sadd.s32 $0x88, s3;
	s6 =	simm.s32 @!p1 $0x1082;
	[sflag:s4] =	ssyncset.s32 $0xFFFFF086  }
0x25: {  	[simem:s6], [sflag:s4] =	dma.local [hbm:s3], $0xF7A  }
0x26: {  	[smem:$0x3F9F] =	sst s1;
	(tag) =	ssettag s2;
	_ =	strace s9  }
0x27: {  	s1 =	sld [smem:$0x3FAF]  }
0x28: {  	s2 =	sld [smem:$0x3FB0]  }
0x29: {  	s4 =	sld [smem:$0x3FB2]  }
0x2a: {  	p0 =	seq.s32 s5, $0x0;
	s5 =	sld [smem:$0x3FB3]  }
0x2b: {  	s6 =	sld [smem:$0x3FB4]  }
0x2c: {  	s7 =	sld [smem:$0x3FB5]  }
0x2d: {  	s3 =	simm.s32 $0x108;
	s8 =	sld [smem:$0x3FB6]  }
0x2e: {  	s3 =	simm.s32 @!p0 $0x1082;
	s9 =	sld [smem:$0x3FB7]  }
0x2f: {  	lr =	sadd.s32 s0, s3;
	s0 =	sld [smem:$0x3FAE]  }
0x30: {  	s3 =	sld [smem:$0x3FB1]  }
0x31: {  	[smem:$0x3FBA] =	sst s10  }
0x32: {  	s10 =	sld [smem:$0x3FB8];
	_ =	sdelay $0x3  }
0x33: {  	p0 =	seq.s32 s10, $0x1;
	s10 =	sld [smem:$0x3FBA];
	_ =	sdelay $0x3  }
0x34: {  	[smem:$0x3FBA] =	sst s10  }
0x35: {  	s10 =	sld [smem:$0x3FB9];
	_ =	sdelay $0x3  }
0x36: {  	p1 =	seq.s32 s10, $0x1;
	s10 =	sld [smem:$0x3FBA];
	_ =	sdelay $0x3  }
0x37: {  	[smem:$0x3FBA] =	sst s10  }
0x38: {  	s10 =	sld [smem:$0x3FBB]  }
0x39: {  	_ = 	snop;
	(pc) =	sbr.ind lr, $3  }
0x3a: {  	_ = 	snop  }
0x3b: {  	_ = 	snop  }
0x3c: {  	p2 =	seq.s32 s10, $0x1;
	s10 =	sld [smem:$0x3FBA]  }
0x3d: {  	_ =	shalt  }
0x3e: {  	_ =	shalt  }
0x3f: {  	_ =	shalt  }
0x40: {  	_ =	shalt  }
0x41: {  	_ =	shalt  }
0x42: {  	_ =	shalt  }
0x43: {  	_ =	shalt  }
0x44: {  	_ =	shalt  }
0x45: {  	_ =	shalt  }
0x46: {  	_ =	shalt  }
0x47: {  	_ =	shalt  }
0x48: {  	_ =	shalt  }
0x49: {  	_ =	shalt  }
0x4a: {  	_ =	shalt  }
0x4b: {  	_ =	shalt  }
0x4c: {  	_ =	shalt  }
0x4d: {  	_ =	shalt  }
0x4e: {  	_ =	shalt  }
0x4f: {  	_ =	shalt  }
0x50: {  	_ =	shalt  }
0x51: {  	_ =	shalt  }
0x52: {  	_ =	shalt  }
0x53: {  	_ =	shalt  }
0x54: {  	_ =	shalt  }
0x55: {  	_ =	shalt  }
0x56: {  	_ =	shalt  }
0x57: {  	_ =	shalt  }
0x58: {  	_ =	shalt  }
0x59: {  	_ =	shalt  }
0x5a: {  	_ =	shalt  }
0x5b: {  	_ =	shalt  }
0x5c: {  	_ =	shalt  }
0x5d: {  	_ =	shalt  }
0x5e: {  	_ =	shalt  }
0x5f: {  	_ =	shalt  }
0x60: {  	_ =	shalt  }
0x61: {  	_ =	shalt  }
0x62: {  	_ =	shalt  }
0x63: {  	_ =	shalt  }
0x64: {  	_ =	shalt  }
0x65: {  	_ =	shalt  }
0x66: {  	_ =	shalt  }
0x67: {  	_ =	shalt  }
0x68: {  	_ =	shalt  }
0x69: {  	_ =	shalt  }
0x6a: {  	_ =	shalt  }
0x6b: {  	_ =	shalt  }
0x6c: {  	_ =	shalt  }
0x6d: {  	_ =	shalt  }
0x6e: {  	_ =	shalt  }
0x6f: {  	_ =	shalt  }
0x70: {  	_ =	shalt  }
0x71: {  	_ =	shalt  }
0x72: {  	_ =	shalt  }
0x73: {  	_ =	shalt  }
0x74: {  	_ =	shalt  }
0x75: {  	_ =	shalt  }
0x76: {  	_ =	shalt  }
0x77: {  	_ =	shalt  }
0x78: {  	_ =	shalt  }
0x79: {  	_ =	shalt  }
0x7a: {  	_ =	shalt  }
0x7b: {  	_ =	shalt  }
0x7c: {  	_ =	shalt  }
0x7d: {  	_ =	shalt  }
0x7e: {  	_ =	shalt  }
0x7f: {  	_ =	shalt  }
0x80: {  	_ =	shalt  }
0x81: {  	_ =	shalt  }
0x82: {  	_ =	shalt  }
0x83: {  	_ =	shalt  }
0x84: {  	_ =	shalt  }
0x85: {  	_ =	shalt  }
0x86: {  	_ =	shalt  }
0x87: {  	_ =	shalt  }
.Lfunc_end0:
.L_simem_size_0:
called_computation.1_lowered:
.L_overlay_start_0:
0x88: {  	s2 =	sld [smem:$0x3FD9]  }
0x89: {  	s3 =	sld [smem:$0x3FFE];
	_ =	sdelay $0x1  }
0x8a: {  	s1 =	srdreg.scid  }
0x8b: {  	s0 =	sand.u32 $0x1, s1  }
0x8c: {  	s17 =	sshll.u32 s0, $0xA;
	s2 =	sadd.s32 s3, s2  }
0x8d: {  	s2 =	sadd.s32 s2, s17  }
0x8e: {  	[smem:$0x3FC6] =	sst s2  }
0x8f: {  	_ = 	snop  }
0x90: {  	s2 =	sld [smem:$0x3FD0];
	(tm) =	ssettm $0x1  }
0x91: {  	s18 =	sld [smem:$0x3FFB];
	_ =	sdelay $0x3  }
0x92: {  	_ =	strace s18  }
0x93: {  	s3 =	sld [smem:$0x3FFC];
	_ =	sdelay $0x3  }
0x94: {  	_ =	strace s3  }
0x95: {  	s3 =	sld [smem:$0x3FFD];
	_ =	sdelay $0x3  }
0x96: {  	_ =	strace s3  }
0x97: {  	_ =	strace $0x8FFFFFFF  }
0x98: {  	s19 =	sld [smem:$0x3FDB];
	_ =	sdelay $0x1  }
0x99: {  	s4 =	simm.s32 $_scs_section_size  }
0x9a: {  	s5 =	simm.s32 $_size__tile_overlayer_lowered;
	s6 =	simm.s32 $_tile_overlayer_lowered  }
0x9b: {  	s22 =	simm.s32 $0x1BFF;
	s21 =	sshll.u32 s6, $0x1;
	s3 =	sadd.s32 s4, s19  }
0x9c: {  	s7 =	simm.s32 $0x0;
	s20 =	sshll.u32 s5, $0x1;
	s5 =	sadd.s32 s21, s3  }
0x9d: {  	[timem:s7], [sflag:s22] =	dma.local [hbm:s5], s20  }
0x9e: {  	_ =	swait.ge [sflag:s22], s20  }
0x9f: {  	s4 =	ssub.s32 $0x0, s20;
	[sflag:s22] =	ssyncset.done $0x0  }
0xa0: {  	[sflag:s22] =	ssyncadd.s32 s4;
	_ =	sdelay $0x1  }
0xa1: {  	s23 =	simm.s32 $0x1B8B  }
0xa2: {  	_ =	swait.ge [sflag:s23], $0x1  }
0xa3: {  	[sflag:s23] =	ssyncset.done $0x0  }
0xa4: {  	s25 =	simm.s32 $0x1B8E;
	s24 =	sld [smem:$0x3FFE];
	[sflag:s23] =	ssyncadd.s32 $0xFFFFFFFF  }
0xa5: {  	s26 =	simm.s32 $execute0_lowered;
	[smem:$0x3FD2] =	sst s25  }
0xa6: {  	s5 =	sshll.u32 s26, $0x1;
	_ =	strace $0x80000046;
	[dreg:$0x1] =	wrdreg $0xFFFFFFFF  }
0xa7: {  	s28 =	simm.s32 $_size_execute0_lowered;
	s3 =	sadd.s32 s3, s5;
	[dreg:$0x0] =	wrdreg $0x0  }
0xa8: {  	s5 =	sshll.u32 s28, $0x1;
	[dreg:$0x2] =	wrdreg s3  }
0xa9: {  	[dreg:$0x3] =	wrdreg s5  }
0xaa: {  	[dreg:$0x4] =	wrdreg $0xC0  }
0xab: {  	_ =	task [dreg:s7], $0x5FFFF  }
0xac: {  	[dreg:$0x1] =	wrdreg $0xFFFFFFFF  }
0xad: {  	[dreg:$0x0] =	wrdreg $0x60  }
0xae: {  	[dreg:$0x2] =	wrdreg s2  }
0xaf: {  	[dreg:$0x3] =	wrdreg s24  }
0xb0: {  	[dreg:$0x4] =	wrdreg $0x9  }
0xb1: {  	_ =	task.clear_ibuf [dreg:s7], $0x5FFFF;
	_ =	strace $0x90000046  }
0xb2: {  	s29 =	simm.s32 $0x9;
	_ =	strace $0x80000048  }
0xb3: {  	_ =	swait.ge [sflag:s29], $0x1  }
0xb4: {  	[sflag:s29] =	ssyncadd.s32 $0xFFFFFFFF  }
0xb5: {  	_ =	strace $0x90000048  }
0xb6: {  	_ =	sfence  }
0xb7: {  	s30 =	sld [smem:$0x0];
	_ =	sdelay $0x2  }
0xb8: {  	s31 =	sshll.u32 s1, $0xD;
	s1 =	sshrl.u32 s1, $0x2  }
0xb9: {  	s3 =	sand.u32 $0x4000, s31;
	s1 =	sadd.s32 s1, s30  }
0xba: {  	s0 =	sor.u32 s3, s0;
	s1 =	sshll.u32 s1, $0x11  }
0xbb: {  	s0 =	sor.u32 s1, s0  }
0xbc: {  	s0 =	sadd.s32 $0x8F2B, s0  }
0xbd: {  	[sflag:s0] =	ssyncadd.remote.s32 $0x1  }
0xbe: {  	_ =	sfence.sel $0xFFFF  }
0xbf: {  	[dreg:$0x0] =	wrdreg $0xFFFFFFFF;
	(pc) =	sbr.abs _section_cstart, $3  }
0xc0: {  	[dreg:$0x1] =	wrdreg $0xFFFFFFFF  }
0xc1: {  	_ =	task.clear_ibuf [dreg:s7], $0x2FFFF;
	_ =	strace $0x9FFFFFFF  }
0xc2: {  	(tm) =	ssettm $0x7FFFFFFF  }
0xc3: {  	_ =	shalt  }
tec
execute0_lowered:
.L_overlay_start_1:
0x0: {  	(tag) =	ssettag $0x1  }
0x1: {  	v1 =	vimm.s32 $0x41403F3E;
	v0 =	vlaneseq.u32  }
0x2: {  	v2 =	vimm.s32 $0x39383130;
	v4 =	vimm.s32 $0x3D3C3B3A;
	vm0 =	vcmask $0x1F10  }
0x3: {  	v7 =	vimm.s32 $0xADACABAA;
	v8 =	vimm.s32 $0x69686766;
	v9 =	vimm.s32 $0x73727170  }
0x4: {  	v10 =	vimm.s32 $0xB1B0AFAE;
	v11 =	vimm.s32 $0x9F9E9D9C;
	v12 =	vimm.s32 $0xA9A8A1A0  }
0x5: {  	v14 =	vimm.s32 $0xD9D8D7D6;
	v15 =	vimm.s32 $0x11D;
	vm2 =	vcmask $0x300  }
0x6: {  	vm3 =	vcmask $0x704;
	vm4 =	vcmask $0xB08;
	vm5 =	vcmask $0xF0C  }
0x7: {  	vm6 =	vcmask $0x1310;
	vm7 =	vcmask $0x1714;
	vm8 =	vcmask $0x1B18  }
0x8: {  	s0 =	srdreg.scid;
	s11 =	stileid.u32;
	vm15 =	vcmask $0x1F1C;
	vm1 =	vcmask $0x2320;
	v16 =	vimm.s32 $0x153  }
0x9: {  	s6 =	rddreg [dreg:$0x0];
	s1 =	simm.s32 $0x0;
	v17 =	vimm.s32 $0x189;
	vm9 =	vcmask $0x2724;
	s28 =	simm.s32 $0x80;
	vm11 =	vcmask $0x2B28  }
0xa: {  	s30 =	simm.s32 $0x190;
	s31 =	simm.s32 $0x1;
	vm12 =	vcmask $0x2F2C;
	vm13 =	vcmask $0x3330;
	s29 =	simm.s32 $0x2;
	vm14 =	vcmask $0x3734  }
0xb: {  	s5 =	sand.u32 $0x1, s0;
	s3 =	smul.u32 $0x700000, s11;
	v3 =	vunpack.c.0.s8.s32 v1;
	s0 =	rddreg [dreg:$0x1];
	v1 =	vimm.s32 $0x45444342;
	v6 =	vunpack.c.0.s8.s32 v2  }
0xc: {  	[smem:$0x7FF] =	sst s1;
	v4 =	vunpack.c.0.s8.s32 v4;
	s9 =	sshll.u32 s11, $0xE;
	v2 =	vor.u32 $0x20, v0;
	s11 =	smul.u32 $0xE0000, s11;
	v7 =	vunpack.c.0.s8.s32 v7  }
0xd: {  	v10 =	vunpack.c.0.s8.s32 v10;
	v11 =	vunpack.c.0.s8.s32 v11;
	v12 =	vunpack.c.0.s8.s32 v12;
	s4 =	smul.u32 $0x380000, s5;
	s7 =	ssub.s32 $0x2, s5;
	s10 =	sshll.u32 s5, $0xD  }
0xe: {  	v8 =	vunpack.c.0.s8.s32 v8;
	v9 =	vunpack.c.0.s8.s32 v9;
	v14 =	vunpack.c.0.s8.s32 v14;
	s2 =	sadd.s32 $0xA00, s0;
	s5 =	smul.u32 $0x70000, s5;
	s15 =	sor.u32 s10, s9  }
0xf: {  	v16 =	vsel vm2, $0x13E, v16;
	v17 =	vsel vm2, $0x174, v17;
	v20 =	vadd.s32 $0x164, v0;
	s8 =	sshrl.u32 s7, $0x1;
	s4 =	sadd.s32 s4, s3;
	s6 =	sadd.s32 s6, s15  }
0x10: {  	v22 =	vadd.s32 $0x18A, v0;
	v23 =	vadd.s32 $0x19A, v0;
	v24 =	vadd.s32 $0x1AA, v0;
	s3 =	ssub.s32 s7, s8;
	s16 =	sor.u32 $0x28400, s4;
	[dreg:$0x3] =	wrdreg s6  }
0x11: {  	v5 =	vunpack.c.0.s8.s32 v1;
	v1 =	vor.u32 $0x10, v0;
	v16 =	vsel vm3, $0x13F, v16;
	s18 =	sor.u32 $0x26800, s4;
	s19 =	sor.u32 $0x24C00, s4;
	s20 =	sor.u32 $0x23000, s4  }
0x12: {  	v17 =	vsel vm3, $0x175, v17;
	v4 =	vsel vm0, v4, v6;
	v7 =	vsel vm0, v10, v7;
	s21 =	sor.u32 $0x21400, s4;
	s9 =	sor.u32 $0x18800, s4;
	s10 =	sor.u32 $0x16C00, s4  }
0x13: {  	v10 =	vsel vm0, v12, v11;
	v8 =	vsel vm0, v9, v8;
	v11 =	vimm.s32 $0xE3E2E1E0;
	s13 =	sor.u32 $0x15000, s4;
	s14 =	sor.u32 $0x13400, s4;
	s15 =	sor.u32 $0x11800, s4  }
0x14: {  	v12 =	vimm.s32 $0xE7E6E5E4;
	v16 =	vsel vm4, $0x140, v16;
	v17 =	vsel vm4, $0x176, v17;
	s17 =	sshrl.u32 s16, $0x3;
	s7 =	sshrl.u32 s18, $0x3;
	s8 =	sshrl.u32 s19, $0x3  }
0x15: {  	v3 =	vsel vm0, v5, v3;
	v5 =	vimm.s32 $0x77767574;
	v9 =	vcombine.low v10, v7;
	s24 =	sshrl.u32 s20, $0x3;
	s25 =	sshrl.u32 s21, $0x3;
	s12 =	sshrl.u32 s10, $0x3  }
0x16: {  	v7 =	vadd.s32 $0x7C, v0;
	v10 =	vadd.s32 $0xB2, v0;
	v11 =	vunpack.c.0.s8.s32 v11;
	s16 =	sshrl.u32 s15, $0x3;
	s18 =	sor.u32 $0xA800, s4;
	s19 =	sor.u32 $0x8C00, s4  }
0x17: {  	v12 =	vunpack.c.0.s8.s32 v12;
	v16 =	vsel vm5, $0x141, v16;
	v17 =	vsel vm5, $0x177, v17;
	s21 =	sor.u32 $0x36400, s4;
	s6 =	sadd.s32 s17, s2;
	s22 =	sadd.s32 s7, s2  }
0x18: {  	v3 =	vcombine.low v4, v3;
	v4 =	vadd.s32 $0x46, v0;
	v6 =	vunpack.c.0.s8.s32 v5;
	s23 =	sadd.s32 s8, s2;
	s26 =	sadd.s32 s25, s2;
	[dreg:$0x4] =	wrdreg s6  }
0x19: {  	v5 =	vimm.s32 $0x7B7A7978;
	v16 =	vsel vm6, $0x142, v16;
	v17 =	vsel vm6, $0x178, v17;
	s7 =	sadd.s32 s11, s2;
	s8 =	sor.u32 $0x1A400, s4;
	[dreg:$0x5] =	wrdreg s22  }
0x1a: {  	v13 =	vunpack.c.0.s8.s32 v5;
	v5 =	vadd.s32 $0x56, v0;
	v9 =	vand.u32 $0xFF, v9;
	s17 =	sor.u32 $0xC400, s4;
	s20 =	sshrl.u32 s19, $0x3;
	[dreg:$0x6] =	wrdreg s23  }
0x1b: {  	v11 =	vsel vm0, v12, v11;
	v12 =	vsel vm2, $0x108, v15;
	v16 =	vsel vm7, $0x143, v16;
	s25 =	sor.u32 $0x31000, s4;
	s6 =	sadd.s32 s24, s2;
	[dreg:$0x8] =	wrdreg s26  }
0x1c: {  	v17 =	vsel vm7, $0x179, v17;
	v12 =	vsel vm3, $0x109, v12;
	v16 =	vsel vm8, $0x144, v16;
	s5 =	sadd.s32 s5, s7;
	s22 =	sor.u32 $0x34800, s4;
	s23 =	sor.u32 $0x32C00, s4  }
0x1d: {  	v17 =	vsel vm8, $0x17A, v17;
	v6 =	vsel vm0, v13, v6;
	v13 =	vimm.s32 $0xD5D4D3D2;
	s4 =	sor.u32 $0x2D800, s4;
	s26 =	smax.u32 s3, $0x1;
	[dreg:$0x7] =	wrdreg s6  }
0x1e: {  	v12 =	vsel vm4, $0x10A, v12;
	v16 =	vsel vm15, $0x145, v16;
	s3 =	simm.s32 $0x6;
	[dreg:$0x9] =	wrdreg s5;
	s5 =	sshrl.u32 s8, $0x3;
	v13 =	vunpack.c.0.s8.s32 v13  }
0x1f: {  	v17 =	vsel vm15, $0x17B, v17;
	s6 =	sshrl.u32 s9, $0x3;
	v6 =	vcombine.low v8, v6;
	v8 =	vadd.s32 $0x8C, v0;
	s24 =	sshrl.u32 s23, $0x3;
	s4 =	sshrl.u32 s4, $0x3  }
0x20: {  	v16 =	vsel vm1, $0x146, v16;
	s8 =	simm.s32 $0x0;
	s5 =	sadd.s32 s5, s2;
	s11 =	sadd.s32 s6, s2;
	v13 =	vsel vm0, v14, v13;
	v14 =	vsel vm5, $0x10B, v12  }
0x21: {  	v17 =	vsel vm1, $0x17C, v17;
	s6 =	sshrl.u32 s14, $0x3;
	s14 =	sadd.s32 s16, s2;
	v16 =	vsel vm9, $0x147, v16;
	[dreg:$0xa] =	wrdreg s5;
	v14 =	vsel vm6, $0x10C, v14  }
0x22: {  	s23 =	sadd.s32 s4, s2;
	v17 =	vsel vm9, $0x17D, v17;
	[dreg:$0xb] =	wrdreg s11;
	s5 =	sadd.s32 s12, s2;
	v16 =	vsel vm11, $0x148, v16;
	v15 =	vsel vm7, $0x10D, v14  }
0x23: {  	s4 =	simm.s32 $0x4;
	v17 =	vsel vm11, $0x17E, v17;
	[dreg:$0xc] =	wrdreg s5;
	s5 =	sshrl.u32 s13, $0x3;
	v13 =	vcombine.low v13, v11;
	v15 =	vsel vm8, $0x10E, v15  }
0x24: {  	s13 =	sadd.s32 s6, s2;
	s6 =	sshrl.u32 s18, $0x3;
	v11 =	vadd.s32 $0xC2, v0;
	v16 =	vsel vm12, $0x149, v16;
	s12 =	sadd.s32 s5, s2;
	v15 =	vsel vm15, $0x10F, v15  }
0x25: {  	v17 =	vsel vm12, $0x17F, v17;
	s5 =	sshrl.u32 s17, $0x3;
	s16 =	sadd.s32 s6, s2;
	s17 =	sadd.s32 s20, s2;
	v14 =	vadd.s32 $0xF8, v0;
	v15 =	vsel vm1, $0x110, v15  }
0x26: {  	s6 =	sshrl.u32 s22, $0x3;
	s20 =	sadd.s32 s24, s2;
	_ =	strace $0x80000047;
	v18 =	vsel vm13, $0x150, v16;
	v16 =	vadd.s32 $0x11E, v0;
	v15 =	vsel vm9, $0x111, v15  }
.Ltmp0:
0x27: {  	s24 =	sadd.s32 $0xF43000, s0;
	[dreg:$0xd] =	wrdreg s26;
	v19 =	vsel vm13, $0x180, v17;
	v17 =	vadd.s32 $0x12E, v0;
	v15 =	vsel vm11, $0x118, v15;
	(pc) =	sbr.rel .LBB2_1-.Ltmp0, $4  }
0x28: {  	s0 =	simm.s32 $0x13800;
	s26 =	simm.s32 $0x3;
	s15 =	sadd.s32 s5, s2;
	v12 =	vand.u32 $0xFF, v13;
	v13 =	vadd.s32 $0xE8, v0;
	v15 =	vsel vm12, $0x119, v15  }
0x29: {  	s5 =	sshrl.u32 s21, $0x3;
	s19 =	sadd.s32 s6, s2;
	s21 =	simm.s32 $0x5;
	v18 =	vsel vm14, $0x151, v18;
	v21 =	vsel vm14, $0x181, v19;
	v15 =	vsel vm13, $0x11A, v15  }
0x2a: {  	v19 =	vadd.s32 $0x154, v0;
	s18 =	sadd.s32 s5, s2;
	s5 =	sshrl.u32 s25, $0x3;
	s25 =	simm.s32 $0x16A00;
	vm15 =	vcmask $0x3B38;
	v15 =	vsel vm14, $0x11B, v15  }
0x2b: {  	s22 =	sadd.s32 s5, s2;
	s2 =	simm.s32 $0x20;
	v18 =	vsel vm15, $0x152, v18;
	v21 =	vsel vm15, $0x188, v21;
	s5 =	simm.s32 $0x7;
	v15 =	vsel vm15, $0x11C, v15  }
.LBB2_6:
0x2c: {  	s7 =	simm.s32 $0x8  }
0x2d: {  	_ =	swait.ge [sflag:s7], $0x3200  }
0x2e: {  	s8 =	rddreg [dreg:$0xe]  }
0x2f: {  	s6 =	rddreg [dreg:$0xd];
	s8 =	sadd.s32 $0x1, s8  }
0x30: {  	p0 =	sne.s32 s8, s6  }
.Ltmp1:
0x31: {  	_ = 	snop;
	(pc) =	sbr.rel @!p0 .LBB2_7-.Ltmp1, $3  }
0x32: {  	_ =	sdelay $0x1  }
0x33: {  	[sflag:s7] =	ssyncset.done $0x0  }
0x34: {  	[sflag:s7] =	ssyncadd.s32 $0xFFFFCE00  }
.LBB2_1:
0x35: {  	v25 =	vmov s1  }
0x36: {  	v25 =	vmul.u32 $0x38, v25;
	_ =	sdelay $0x1  }
0x37: {  	v25 =	vbroadcast v25, $0x0  }
0x38: {  	[dreg:$0xe] =	wrdreg s8  }
0x39: {  	s6 =	rddreg [dreg:$0x3];
	s7 =	simm.s32 $0x38;
	s10 =	simm.s32 $0x9;
	v26 =	vor.u32 v0, v25  }
0x3a: {  	[tilespmem:s1], [sflag:$0x9] =	stream.strided.gather [hbm4b:s6+s7], $0x7000, s28, s7, $0x38;
	[tilespmem:$0x19C00] =	vst v63  }
0x3b: {  	_ =	swait.ge [sflag:s10], $0x7000  }
0x3c: {  	[sflag:s10] =	ssyncset.done $0x0  }
0x3d: {  	[sflag:s10] =	ssyncadd.s32 $0xFFFF9000  }
0x3e: {  	v26 =	vld.idx.msk [tilespmem:v26+s1+$0x0], $0xffff  }
0x3f: {  	v27 =	vor.u32 v1, v25;
	_ =	sdelay $0x2  }
0x40: {  	s6 =	simm.s32 $0x70C0  }
0x41: {  	[tilespmem:s6+$0xFFFFFF40] =	vst v26  }
0x42: {  	v26 =	vld.idx.msk [tilespmem:v27+s1+$0x0], $0xffff  }
0x43: {  	v27 =	vor.u32 v2, v25;
	_ =	sdelay $0x3  }
0x44: {  	[tilespmem:s6+$0xFFFFFF50] =	vst v26  }
0x45: {  	v26 =	vld.idx.msk [tilespmem:v27+s1+$0x0], $0xffff  }
0x46: {  	v27 =	vadd.s32 v3, v25;
	_ =	sdelay $0x3  }
0x47: {  	[tilespmem:s6+$0xFFFFFF60] =	vst v26  }
0x48: {  	v26 =	vld.idx.msk [tilespmem:v27+s1+$0x0], $0xffff  }
0x49: {  	v27 =	vadd.s32 v4, v25;
	_ =	sdelay $0x3  }
0x4a: {  	[tilespmem:s6+$0xFFFFFF70] =	vst v26  }
0x4b: {  	v26 =	vld.idx.msk [tilespmem:v27+s1+$0x0], $0xffff  }
0x4c: {  	v27 =	vadd.s32 v5, v25;
	_ =	sdelay $0x3  }
0x4d: {  	[tilespmem:s6+$0xFFFFFF80] =	vst v26  }
0x4e: {  	v26 =	vld.idx.msk [tilespmem:v27+s1+$0x0], $0xffff  }
0x4f: {  	v27 =	vadd.s32 v6, v25;
	_ =	sdelay $0x3  }
0x50: {  	[tilespmem:s6+$0xFFFFFF90] =	vst v26  }
0x51: {  	v26 =	vld.idx.msk [tilespmem:v27+s1+$0x0], $0xffff  }
0x52: {  	v27 =	vadd.s32 v7, v25;
	_ =	sdelay $0x3  }
0x53: {  	[tilespmem:s6+$0xFFFFFFA0] =	vst v26  }
0x54: {  	v26 =	vld.idx.msk [tilespmem:v27+s1+$0x0], $0xffff  }
0x55: {  	v27 =	vadd.s32 v8, v25;
	_ =	sdelay $0x3  }
0x56: {  	[tilespmem:s6+$0xFFFFFFB0] =	vst v26  }
0x57: {  	v26 =	vld.idx.msk [tilespmem:v27+s1+$0x0], $0xffff  }
0x58: {  	v27 =	vadd.s32 v9, v25;
	_ =	sdelay $0x3  }
0x59: {  	[tilespmem:s6+$0xFFFFFFC0] =	vst v26  }
0x5a: {  	v26 =	vld.idx.msk [tilespmem:v27+s1+$0x0], $0xffff  }
0x5b: {  	v27 =	vadd.s32 v10, v25;
	_ =	sdelay $0x3  }
0x5c: {  	[tilespmem:s6+$0xFFFFFFD0] =	vst v26  }
0x5d: {  	v26 =	vld.idx.msk [tilespmem:v27+s1+$0x0], $0xffff  }
0x5e: {  	v27 =	vadd.s32 v11, v25;
	_ =	sdelay $0x3  }
0x5f: {  	[tilespmem:s6+$0xFFFFFFE0] =	vst v26  }
0x60: {  	v26 =	vld.idx.msk [tilespmem:v27+s1+$0x0], $0xffff  }
0x61: {  	v27 =	vadd.s32 v12, v25;
	_ =	sdelay $0x3  }
0x62: {  	[tilespmem:s6+$0xFFFFFFF0] =	vst v26  }
0x63: {  	v26 =	vld.idx.msk [tilespmem:v27+s1+$0x0], $0xffff  }
0x64: {  	v27 =	vadd.s32 v13, v25;
	_ =	sdelay $0x3  }
0x65: {  	[tilespmem:s6+$0x0] =	vst v26  }
0x66: {  	v26 =	vld.idx.msk [tilespmem:v27+s1+$0x0], $0xffff  }
0x67: {  	v27 =	vadd.s32 v14, v25;
	_ =	sdelay $0x3  }
0x68: {  	[tilespmem:s6+$0x10] =	vst v26  }
0x69: {  	v26 =	vld.idx.msk [tilespmem:v27+s1+$0x0], $0xffff  }
0x6a: {  	v27 =	vadd.s32 v15, v25;
	_ =	sdelay $0x3  }
0x6b: {  	[tilespmem:s6+$0x20] =	vst v26  }
0x6c: {  	v26 =	vld.idx.msk [tilespmem:v27+s1+$0x0], $0xffff  }
0x6d: {  	v27 =	vadd.s32 v16, v25;
	_ =	sdelay $0x3  }
0x6e: {  	[tilespmem:s6+$0x30] =	vst v26  }
0x6f: {  	v26 =	vld.idx.msk [tilespmem:v27+s1+$0x0], $0xffff  }
0x70: {  	v27 =	vadd.s32 v17, v25;
	_ =	sdelay $0x3  }
0x71: {  	[tilespmem:s6+$0x40] =	vst v26  }
0x72: {  	v26 =	vld.idx.msk [tilespmem:v27+s1+$0x0], $0xffff  }
0x73: {  	v27 =	vadd.s32 v18, v25;
	_ =	sdelay $0x3  }
0x74: {  	[tilespmem:s6+$0x50] =	vst v26  }
0x75: {  	v26 =	vld.idx.msk [tilespmem:v27+s1+$0x0], $0xffff  }
0x76: {  	v27 =	vadd.s32 v19, v25;
	_ =	sdelay $0x3  }
0x77: {  	[tilespmem:s6+$0x60] =	vst v26  }
0x78: {  	v26 =	vld.idx.msk [tilespmem:v27+s1+$0x0], $0xffff  }
0x79: {  	v27 =	vadd.s32 v20, v25;
	_ =	sdelay $0x3  }
0x7a: {  	[tilespmem:s6+$0x70] =	vst v26  }
0x7b: {  	v26 =	vld.idx.msk [tilespmem:v27+s1+$0x0], $0xffff  }
0x7c: {  	v27 =	vadd.s32 v21, v25;
	_ =	sdelay $0x3  }
0x7d: {  	[tilespmem:s6+$0x80] =	vst v26  }
0x7e: {  	v26 =	vld.idx.msk [tilespmem:v27+s1+$0x0], $0xffff  }
0x7f: {  	v27 =	vadd.s32 v22, v25;
	_ =	sdelay $0x3  }
0x80: {  	[tilespmem:s6+$0x90] =	vst v26  }
0x81: {  	v26 =	vld.idx.msk [tilespmem:v27+s1+$0x0], $0xffff  }
0x82: {  	v27 =	vadd.s32 v23, v25;
	_ =	sdelay $0x3  }
0x83: {  	[tilespmem:s6+$0xA0] =	vst v26  }
0x84: {  	v27 =	vld.idx.msk [tilespmem:v27+s1+$0x0], $0xffff  }
0x85: {  	v26 =	vadd.s32 v24, v25  }
0x86: {  	s11 =	simm.s32 $0x8  }
0x87: {  	s7 =	simm.s32 $0x10;
	v25 =	vmov s11  }
.LBB2_2:
0x88: {  	p0 =	sne.s32 s7, $0x1F8;
	v25 =	vmul.u32 $0x38, v25  }
0x89: {  	[tilespmem:s6+$0xB0] =	vst v27  }
0x8a: {  	v25 =	vbroadcast v25, $0x0;
	v26 =	vld.idx.msk [tilespmem:v26+s1+$0x0], $0xffff;
	_ =	sdelay $0x1  }
0x8b: {  	v27 =	vor.u32 v0, v25;
	_ =	sdelay $0x3  }
0x8c: {  	[tilespmem:s6+$0xC0] =	vst v26  }
0x8d: {  	v26 =	vld.idx.msk [tilespmem:v27+s1+$0x0], $0xffff;
	_ =	sdelay $0x1  }
0x8e: {  	v27 =	vor.u32 v1, v25;
	_ =	sdelay $0x2  }
0x8f: {  	s6 =	sadd.s32 $0x190, s6  }
0x90: {  	[tilespmem:s6+$0xFFFFFF40] =	vst v26  }
0x91: {  	v26 =	vld.idx.msk [tilespmem:v27+s1+$0x0], $0xffff;
	_ =	sdelay $0x1  }
0x92: {  	v27 =	vor.u32 v2, v25;
	_ =	sdelay $0x3  }
0x93: {  	[tilespmem:s6+$0xFFFFFF50] =	vst v26  }
0x94: {  	v26 =	vld.idx.msk [tilespmem:v27+s1+$0x0], $0xffff;
	_ =	sdelay $0x1  }
0x95: {  	v27 =	vadd.s32 v3, v25;
	_ =	sdelay $0x3  }
0x96: {  	[tilespmem:s6+$0xFFFFFF60] =	vst v26  }
0x97: {  	v26 =	vld.idx.msk [tilespmem:v27+s1+$0x0], $0xffff;
	_ =	sdelay $0x1  }
0x98: {  	v27 =	vadd.s32 v4, v25;
	_ =	sdelay $0x3  }
0x99: {  	[tilespmem:s6+$0xFFFFFF70] =	vst v26  }
0x9a: {  	v26 =	vld.idx.msk [tilespmem:v27+s1+$0x0], $0xffff;
	_ =	sdelay $0x1  }
0x9b: {  	v27 =	vadd.s32 v5, v25;
	_ =	sdelay $0x3  }
0x9c: {  	[tilespmem:s6+$0xFFFFFF80] =	vst v26  }
0x9d: {  	v26 =	vld.idx.msk [tilespmem:v27+s1+$0x0], $0xffff;
	_ =	sdelay $0x1  }
0x9e: {  	v27 =	vadd.s32 v6, v25;
	_ =	sdelay $0x3  }
0x9f: {  	[tilespmem:s6+$0xFFFFFF90] =	vst v26  }
0xa0: {  	v26 =	vld.idx.msk [tilespmem:v27+s1+$0x0], $0xffff;
	_ =	sdelay $0x1  }
0xa1: {  	v27 =	vadd.s32 v7, v25;
	_ =	sdelay $0x3  }
0xa2: {  	[tilespmem:s6+$0xFFFFFFA0] =	vst v26  }
0xa3: {  	v26 =	vld.idx.msk [tilespmem:v27+s1+$0x0], $0xffff;
	_ =	sdelay $0x1  }
0xa4: {  	v27 =	vadd.s32 v8, v25;
	_ =	sdelay $0x3  }
0xa5: {  	[tilespmem:s6+$0xFFFFFFB0] =	vst v26  }
0xa6: {  	v26 =	vld.idx.msk [tilespmem:v27+s1+$0x0], $0xffff;
	_ =	sdelay $0x1  }
0xa7: {  	v27 =	vadd.s32 v9, v25;
	_ =	sdelay $0x3  }
0xa8: {  	[tilespmem:s6+$0xFFFFFFC0] =	vst v26  }
0xa9: {  	v26 =	vld.idx.msk [tilespmem:v27+s1+$0x0], $0xffff;
	_ =	sdelay $0x1  }
0xaa: {  	v27 =	vadd.s32 v10, v25;
	_ =	sdelay $0x3  }
0xab: {  	[tilespmem:s6+$0xFFFFFFD0] =	vst v26  }
0xac: {  	v26 =	vld.idx.msk [tilespmem:v27+s1+$0x0], $0xffff;
	_ =	sdelay $0x1  }
0xad: {  	v27 =	vadd.s32 v11, v25;
	_ =	sdelay $0x3  }
0xae: {  	[tilespmem:s6+$0xFFFFFFE0] =	vst v26  }
0xaf: {  	v26 =	vld.idx.msk [tilespmem:v27+s1+$0x0], $0xffff;
	_ =	sdelay $0x1  }
0xb0: {  	v27 =	vadd.s32 v12, v25;
	_ =	sdelay $0x3  }
0xb1: {  	[tilespmem:s6+$0xFFFFFFF0] =	vst v26  }
0xb2: {  	v26 =	vld.idx.msk [tilespmem:v27+s1+$0x0], $0xffff;
	_ =	sdelay $0x1  }
0xb3: {  	v27 =	vadd.s32 v13, v25;
	_ =	sdelay $0x3  }
0xb4: {  	[tilespmem:s6+$0x0] =	vst v26  }
0xb5: {  	v26 =	vld.idx.msk [tilespmem:v27+s1+$0x0], $0xffff;
	_ =	sdelay $0x1  }
0xb6: {  	v27 =	vadd.s32 v14, v25;
	_ =	sdelay $0x3  }
0xb7: {  	[tilespmem:s6+$0x10] =	vst v26  }
0xb8: {  	v26 =	vld.idx.msk [tilespmem:v27+s1+$0x0], $0xffff;
	_ =	sdelay $0x1  }
0xb9: {  	v27 =	vadd.s32 v15, v25;
	_ =	sdelay $0x3  }
0xba: {  	[tilespmem:s6+$0x20] =	vst v26  }
0xbb: {  	v26 =	vld.idx.msk [tilespmem:v27+s1+$0x0], $0xffff;
	_ =	sdelay $0x1  }
0xbc: {  	v27 =	vadd.s32 v16, v25;
	_ =	sdelay $0x3  }
0xbd: {  	[tilespmem:s6+$0x30] =	vst v26  }
0xbe: {  	v26 =	vld.idx.msk [tilespmem:v27+s1+$0x0], $0xffff;
	_ =	sdelay $0x1  }
0xbf: {  	v27 =	vadd.s32 v17, v25;
	_ =	sdelay $0x3  }
0xc0: {  	[tilespmem:s6+$0x40] =	vst v26  }
0xc1: {  	v26 =	vld.idx.msk [tilespmem:v27+s1+$0x0], $0xffff;
	_ =	sdelay $0x1  }
0xc2: {  	v27 =	vadd.s32 v18, v25;
	_ =	sdelay $0x3  }
0xc3: {  	[tilespmem:s6+$0x50] =	vst v26  }
0xc4: {  	v26 =	vld.idx.msk [tilespmem:v27+s1+$0x0], $0xffff;
	_ =	sdelay $0x1  }
0xc5: {  	v27 =	vadd.s32 v19, v25;
	_ =	sdelay $0x3  }
0xc6: {  	[tilespmem:s6+$0x60] =	vst v26  }
0xc7: {  	v26 =	vld.idx.msk [tilespmem:v27+s1+$0x0], $0xffff;
	_ =	sdelay $0x1  }
0xc8: {  	v27 =	vadd.s32 v20, v25;
	_ =	sdelay $0x3  }
0xc9: {  	[tilespmem:s6+$0x70] =	vst v26  }
0xca: {  	v26 =	vld.idx.msk [tilespmem:v27+s1+$0x0], $0xffff;
	_ =	sdelay $0x1  }
0xcb: {  	v27 =	vadd.s32 v21, v25;
	_ =	sdelay $0x3  }
0xcc: {  	[tilespmem:s6+$0x80] =	vst v26  }
0xcd: {  	v26 =	vld.idx.msk [tilespmem:v27+s1+$0x0], $0xffff;
	_ =	sdelay $0x1  }
0xce: {  	v27 =	vadd.s32 v22, v25;
	_ =	sdelay $0x3  }
0xcf: {  	[tilespmem:s6+$0x90] =	vst v26  }
0xd0: {  	v26 =	vld.idx.msk [tilespmem:v27+s1+$0x0], $0xffff;
	_ =	sdelay $0x1  }
0xd1: {  	v27 =	vadd.s32 v23, v25;
	_ =	sdelay $0x3  }
0xd2: {  	[tilespmem:s6+$0xA0] =	vst v26  }
.Ltmp2:
0xd3: {  	v27 =	vld.idx.msk [tilespmem:v27+s1+$0x0], $0xffff;
	(pc) =	sbr.rel @p0 .LBB2_2-.Ltmp2, $3  }
0xd4: {  	_ = 	snop  }
0xd5: {  	v26 =	vadd.s32 v24, v25;
	_ =	sdelay $0x1  }
0xd6: {  	v25 =	vmov s7;
	s7 =	sadd.s32 $0x8, s7  }
0xd7: {  	_ = 	snop  }
0xd8: {  	v25 =	vmul.u32 $0x38, v25;
	_ =	sdelay $0x1  }
0xd9: {  	[tilespmem:s6+$0xB0] =	vst v27;
	v25 =	vbroadcast v25, $0x0  }
0xda: {  	v26 =	vld.idx.msk [tilespmem:v26+s1+$0x0], $0xffff  }
0xdb: {  	v27 =	vor.u32 v0, v25;
	_ =	sdelay $0x3  }
0xdc: {  	[tilespmem:s6+$0xC0] =	vst v26  }
0xdd: {  	v26 =	vld.idx.msk [tilespmem:v27+s1+$0x0], $0xffff  }
0xde: {  	v27 =	vor.u32 v1, v25;
	_ =	sdelay $0x2  }
0xdf: {  	s7 =	sadd.s32 $0x190, s6  }
0xe0: {  	[tilespmem:s7+$0xFFFFFF40] =	vst v26  }
0xe1: {  	v26 =	vld.idx.msk [tilespmem:v27+s1+$0x0], $0xffff  }
0xe2: {  	v27 =	vor.u32 v2, v25;
	_ =	sdelay $0x3  }
0xe3: {  	[tilespmem:s7+$0xFFFFFF50] =	vst v26  }
0xe4: {  	v26 =	vld.idx.msk [tilespmem:v27+s1+$0x0], $0xffff  }
0xe5: {  	v27 =	vadd.s32 v3, v25;
	_ =	sdelay $0x3  }
0xe6: {  	[tilespmem:s7+$0xFFFFFF60] =	vst v26  }
0xe7: {  	v26 =	vld.idx.msk [tilespmem:v27+s1+$0x0], $0xffff  }
0xe8: {  	v27 =	vadd.s32 v4, v25;
	_ =	sdelay $0x3  }
0xe9: {  	[tilespmem:s7+$0xFFFFFF70] =	vst v26  }
0xea: {  	v26 =	vld.idx.msk [tilespmem:v27+s1+$0x0], $0xffff  }
0xeb: {  	v27 =	vadd.s32 v5, v25;
	_ =	sdelay $0x3  }
0xec: {  	[tilespmem:s7+$0xFFFFFF80] =	vst v26  }
0xed: {  	v26 =	vld.idx.msk [tilespmem:v27+s1+$0x0], $0xffff  }
0xee: {  	v27 =	vadd.s32 v6, v25;
	_ =	sdelay $0x3  }
0xef: {  	[tilespmem:s7+$0xFFFFFF90] =	vst v26  }
0xf0: {  	v26 =	vld.idx.msk [tilespmem:v27+s1+$0x0], $0xffff  }
0xf1: {  	v27 =	vadd.s32 v7, v25;
	_ =	sdelay $0x3  }
0xf2: {  	[tilespmem:s7+$0xFFFFFFA0] =	vst v26  }
0xf3: {  	v26 =	vld.idx.msk [tilespmem:v27+s1+$0x0], $0xffff  }
0xf4: {  	v27 =	vadd.s32 v8, v25;
	_ =	sdelay $0x3  }
0xf5: {  	[tilespmem:s7+$0xFFFFFFB0] =	vst v26  }
0xf6: {  	v26 =	vld.idx.msk [tilespmem:v27+s1+$0x0], $0xffff  }
0xf7: {  	v27 =	vadd.s32 v9, v25;
	_ =	sdelay $0x3  }
0xf8: {  	[tilespmem:s7+$0xFFFFFFC0] =	vst v26  }
0xf9: {  	v26 =	vld.idx.msk [tilespmem:v27+s1+$0x0], $0xffff  }
0xfa: {  	v27 =	vadd.s32 v10, v25;
	_ =	sdelay $0x3  }
0xfb: {  	[tilespmem:s7+$0xFFFFFFD0] =	vst v26  }
0xfc: {  	v26 =	vld.idx.msk [tilespmem:v27+s1+$0x0], $0xffff  }
0xfd: {  	v27 =	vadd.s32 v11, v25;
	_ =	sdelay $0x3  }
0xfe: {  	[tilespmem:s7+$0xFFFFFFE0] =	vst v26  }
0xff: {  	v26 =	vld.idx.msk [tilespmem:v27+s1+$0x0], $0xffff  }
0x100: {  	v27 =	vadd.s32 v12, v25;
	_ =	sdelay $0x3  }
0x101: {  	[tilespmem:s7+$0xFFFFFFF0] =	vst v26  }
0x102: {  	v26 =	vld.idx.msk [tilespmem:v27+s1+$0x0], $0xffff  }
0x103: {  	v27 =	vadd.s32 v13, v25;
	_ =	sdelay $0x3  }
0x104: {  	[tilespmem:s7+$0x0] =	vst v26  }
0x105: {  	v26 =	vld.idx.msk [tilespmem:v27+s1+$0x0], $0xffff  }
0x106: {  	v27 =	vadd.s32 v14, v25;
	_ =	sdelay $0x3  }
0x107: {  	[tilespmem:s7+$0x10] =	vst v26  }
0x108: {  	v26 =	vld.idx.msk [tilespmem:v27+s1+$0x0], $0xffff  }
0x109: {  	v27 =	vadd.s32 v15, v25;
	_ =	sdelay $0x3  }
0x10a: {  	[tilespmem:s7+$0x20] =	vst v26  }
0x10b: {  	v26 =	vld.idx.msk [tilespmem:v27+s1+$0x0], $0xffff  }
0x10c: {  	v27 =	vadd.s32 v16, v25;
	_ =	sdelay $0x3  }
0x10d: {  	[tilespmem:s7+$0x30] =	vst v26  }
0x10e: {  	v26 =	vld.idx.msk [tilespmem:v27+s1+$0x0], $0xffff  }
0x10f: {  	v27 =	vadd.s32 v17, v25;
	_ =	sdelay $0x3  }
0x110: {  	[tilespmem:s7+$0x40] =	vst v26  }
0x111: {  	v26 =	vld.idx.msk [tilespmem:v27+s1+$0x0], $0xffff  }
0x112: {  	v27 =	vadd.s32 v18, v25;
	_ =	sdelay $0x3  }
0x113: {  	[tilespmem:s7+$0x50] =	vst v26  }
0x114: {  	v26 =	vld.idx.msk [tilespmem:v27+s1+$0x0], $0xffff  }
0x115: {  	v27 =	vadd.s32 v19, v25;
	_ =	sdelay $0x3  }
0x116: {  	[tilespmem:s7+$0x60] =	vst v26  }
0x117: {  	v26 =	vld.idx.msk [tilespmem:v27+s1+$0x0], $0xffff  }
0x118: {  	v27 =	vadd.s32 v20, v25;
	_ =	sdelay $0x3  }
0x119: {  	[tilespmem:s7+$0x70] =	vst v26  }
0x11a: {  	v26 =	vld.idx.msk [tilespmem:v27+s1+$0x0], $0xffff  }
0x11b: {  	v27 =	vadd.s32 v21, v25;
	_ =	sdelay $0x3  }
0x11c: {  	[tilespmem:s7+$0x80] =	vst v26  }
0x11d: {  	v26 =	vld.idx.msk [tilespmem:v27+s1+$0x0], $0xffff  }
0x11e: {  	v27 =	vadd.s32 v22, v25;
	_ =	sdelay $0x3  }
0x11f: {  	[tilespmem:s7+$0x90] =	vst v26  }
0x120: {  	v26 =	vld.idx.msk [tilespmem:v27+s1+$0x0], $0xffff  }
0x121: {  	v27 =	vadd.s32 v23, v25;
	_ =	sdelay $0x3  }
0x122: {  	[tilespmem:s7+$0xA0] =	vst v26  }
0x123: {  	v26 =	vld.idx.msk [tilespmem:v27+s1+$0x0], $0xffff  }
0x124: {  	v25 =	vadd.s32 v24, v25;
	_ =	sdelay $0x3  }
0x125: {  	[tilespmem:s7+$0xB0] =	vst v26  }
0x126: {  	v25 =	vld.idx.msk [tilespmem:v25+s1+$0x0], $0xffff;
	_ =	sdelay $0x4  }
0x127: {  	s8 =	simm.s32 $0x7000;
	[tilespmem:s7+$0xC0] =	vst v25;
	s7 =	simm.s32 $0xD400  }
0x128: {  	[tilespmem:s7], [sflag:$0x1] =	stream.indirect.gather [hbm4b:s24+s30], $0x20, s8, s30, $0xb8;
	[tilespmem:$0x19C00] =	vst v63  }
0x129: {  	s9 =	simm.s32 $0x7190;
	s10 =	simm.s32 $0x10600  }
0x12a: {  	[tilespmem:s10], [sflag:$0x2] =	stream.indirect.gather [hbm4b:s24+s30], $0x20, s9, s30, $0xb8;
	[tilespmem:$0x19C00] =	vst v63  }
0x12b: {  	s11 =	simm.s32 $0x7320;
	s6 =	simm.s32 $0x7960;
	s7 =	simm.s32 $0x0  }
0x12c: {  	[tilespmem:s0], [sflag:$0x3] =	stream.indirect.gather [hbm4b:s24+s30], $0x20, s11, s30, $0xb8;
	[tilespmem:$0x19C00] =	vst v63  }
.LBB2_4:
0x12d: {  	_ =	swait.ge [sflag:s31], $0x3200  }
0x12e: {  	[sflag:s31] =	ssyncset.done $0x0;
	s8 =	rddreg [dreg:$0x9]  }
0x12f: {  	s9 =	simm.s32 $0xD400;
	[sflag:s31] =	ssyncadd.s32 $0xFFFFCE00;
	s8 =	sadd.s32 s7, s8  }
0x130: {  	[hbm4b:s8+s2] =	stream.strided.scatter [tilespmem:s9], [sflag:$0x5], $0x640, s28, s2, $0x38;
	[tilespmem:$0x19C00] =	vst v63  }
0x131: {  	s10 =	simm.s32 $0xDA40;
	s11 =	sadd.s32 $0x380, s8  }
0x132: {  	[hbm4b:s11+s2] =	stream.strided.scatter [tilespmem:s10], [sflag:$0x5], $0x640, s28, s2, $0x38;
	[tilespmem:$0x19C00] =	vst v63  }
0x133: {  	s10 =	sadd.s32 $0x700, s8;
	s11 =	simm.s32 $0xE080  }
0x134: {  	[hbm4b:s10+s2] =	stream.strided.scatter [tilespmem:s11], [sflag:$0x5], $0x640, s28, s2, $0x38;
	[tilespmem:$0x19C00] =	vst v63  }
0x135: {  	s10 =	sadd.s32 $0xA80, s8;
	s11 =	simm.s32 $0xE6C0  }
0x136: {  	[hbm4b:s10+s2] =	stream.strided.scatter [tilespmem:s11], [sflag:$0x5], $0x640, s28, s2, $0x38;
	[tilespmem:$0x19C00] =	vst v63  }
0x137: {  	s10 =	sadd.s32 $0xE00, s8;
	s11 =	simm.s32 $0xED00  }
0x138: {  	[hbm4b:s10+s2] =	stream.strided.scatter [tilespmem:s11], [sflag:$0x5], $0x640, s28, s2, $0x38;
	[tilespmem:$0x19C00] =	vst v63  }
0x139: {  	s10 =	sadd.s32 s7, s17;
	s11 =	simm.s32 $0xF340  }
0x13a: {  	[hbm4b:s10+s2] =	stream.strided.scatter [tilespmem:s11], [sflag:$0x5], $0x640, s28, s2, $0x38;
	[tilespmem:$0x19C00] =	vst v63  }
0x13b: {  	p0 =	seq.s32 s7, $0x0;
	s10 =	sadd.s32 s7, s16;
	s11 =	simm.s32 $0xF980  }
0x13c: {  	[hbm4b:s10+s2] =	stream.strided.scatter [tilespmem:s11], [sflag:$0x5], $0x640, s28, s2, $0x38;
	[tilespmem:$0x19C00] =	vst v63  }
0x13d: {  	s9 =	simm.s32 @!p0 $0x8;
	s10 =	sadd.s32 s7, s15;
	s11 =	simm.s32 $0xFFC0  }
0x13e: {  	[hbm4b:s10+s2] =	stream.strided.scatter [tilespmem:s11], [sflag:$0x5], $0x640, s28, s2, $0x38;
	[tilespmem:$0x19C00] =	vst v63  }
0x13f: {  	_ =	swait.ge @!p0 [sflag:s9], $0x3200  }
0x140: {  	[sflag:s9] =	ssyncset.done @!p0 $0x0  }
0x141: {  	s11 =	sadd.s32 $0xFFFFFB50, s6;
	[sflag:s9] =	ssyncadd.s32 @!p0 $0xFFFFCE00  }
0x142: {  	[tilespmem:s25], [sflag:$0x4] =	stream.indirect.gather [hbm4b:s24+s30], $0x20, s11, s30, $0xb8;
	[tilespmem:$0x19C00] =	vst v63  }
0x143: {  	_ =	swait.ge [sflag:s29], $0x3200  }
0x144: {  	[sflag:s29] =	ssyncset.done $0x0  }
0x145: {  	s10 =	sadd.s32 $0x1C00, s8;
	s11 =	simm.s32 $0x10600;
	[sflag:s29] =	ssyncadd.s32 $0xFFFFCE00  }
0x146: {  	[hbm4b:s10+s2] =	stream.strided.scatter [tilespmem:s11], [sflag:$0x6], $0x640, s28, s2, $0x38;
	[tilespmem:$0x19C00] =	vst v63  }
0x147: {  	s10 =	sadd.s32 $0x1F80, s8;
	s11 =	simm.s32 $0x10C40  }
0x148: {  	[hbm4b:s10+s2] =	stream.strided.scatter [tilespmem:s11], [sflag:$0x6], $0x640, s28, s2, $0x38;
	[tilespmem:$0x19C00] =	vst v63  }
0x149: {  	s10 =	sadd.s32 s7, s14;
	s11 =	simm.s32 $0x11280  }
0x14a: {  	[hbm4b:s10+s2] =	stream.strided.scatter [tilespmem:s11], [sflag:$0x6], $0x640, s28, s2, $0x38;
	[tilespmem:$0x19C00] =	vst v63  }
0x14b: {  	s10 =	sadd.s32 s7, s13;
	s11 =	simm.s32 $0x118C0  }
0x14c: {  	[hbm4b:s10+s2] =	stream.strided.scatter [tilespmem:s11], [sflag:$0x6], $0x640, s28, s2, $0x38;
	[tilespmem:$0x19C00] =	vst v63  }
0x14d: {  	s10 =	sadd.s32 s7, s12;
	s11 =	simm.s32 $0x11F00  }
0x14e: {  	[hbm4b:s10+s2] =	stream.strided.scatter [tilespmem:s11], [sflag:$0x6], $0x640, s28, s2, $0x38;
	[tilespmem:$0x19C00] =	vst v63  }
0x14f: {  	s10 =	rddreg [dreg:$0xc]  }
0x150: {  	s11 =	simm.s32 $0x12540;
	s9 =	sadd.s32 s7, s10;
	s10 =	rddreg [dreg:$0xb]  }
0x151: {  	[hbm4b:s9+s2] =	stream.strided.scatter [tilespmem:s11], [sflag:$0x6], $0x640, s28, s2, $0x38;
	[tilespmem:$0x19C00] =	vst v63  }
0x152: {  	s9 =	sadd.s32 s7, s10;
	s11 =	simm.s32 $0x12B80;
	s10 =	rddreg [dreg:$0xa]  }
0x153: {  	[hbm4b:s9+s2] =	stream.strided.scatter [tilespmem:s11], [sflag:$0x6], $0x640, s28, s2, $0x38;
	[tilespmem:$0x19C00] =	vst v63  }
0x154: {  	s9 =	sadd.s32 s7, s10;
	s11 =	simm.s32 $0x131C0  }
0x155: {  	[hbm4b:s9+s2] =	stream.strided.scatter [tilespmem:s11], [sflag:$0x6], $0x640, s28, s2, $0x38;
	[tilespmem:$0x19C00] =	vst v63  }
0x156: {  	p0 =	seq.s32 s7, $0x69000;
	_ =	swait.ge [sflag:s21], $0x3200  }
0x157: {  	s10 =	simm.s32 @!p0 $0x190;
	[sflag:s21] =	ssyncset.done $0x0  }
0x158: {  	s9 =	sadd.s32 @!p0 $0xFFFFFCE0, s6;
	s11 =	simm.s32 @!p0 $0xD400;
	[sflag:s21] =	ssyncadd.s32 $0xFFFFCE00  }
0x159: {  	[tilespmem:s11], [sflag:$0x1] =	stream.indirect.gather @!p0 [hbm4b:s24+s10], $0x20, s9, s10, $0xb8;
	[tilespmem:$0x19C00] =	vst v63  }
0x15a: {  	_ =	swait.ge [sflag:s26], $0x3200  }
0x15b: {  	[sflag:s26] =	ssyncset.done $0x0  }
0x15c: {  	s11 =	sadd.s32 $0x3800, s8;
	[sflag:s26] =	ssyncadd.s32 $0xFFFFCE00  }
0x15d: {  	[hbm4b:s11+s2] =	stream.strided.scatter [tilespmem:s0], [sflag:$0x7], $0x640, s28, s2, $0x38;
	[tilespmem:$0x19C00] =	vst v63  }
0x15e: {  	s9 =	sadd.s32 $0x3B80, s8;
	s11 =	simm.s32 $0x13E40  }
0x15f: {  	[hbm4b:s9+s2] =	stream.strided.scatter [tilespmem:s11], [sflag:$0x7], $0x640, s28, s2, $0x38;
	[tilespmem:$0x19C00] =	vst v63  }
0x160: {  	s9 =	sadd.s32 $0x3F00, s8;
	s11 =	simm.s32 $0x14480  }
0x161: {  	[hbm4b:s9+s2] =	stream.strided.scatter [tilespmem:s11], [sflag:$0x7], $0x640, s28, s2, $0x38;
	[tilespmem:$0x19C00] =	vst v63  }
0x162: {  	s11 =	rddreg [dreg:$0x8]  }
0x163: {  	s9 =	sadd.s32 s7, s11;
	s11 =	simm.s32 $0x14AC0  }
0x164: {  	[hbm4b:s9+s2] =	stream.strided.scatter [tilespmem:s11], [sflag:$0x7], $0x640, s28, s2, $0x38;
	[tilespmem:$0x19C00] =	vst v63  }
0x165: {  	s11 =	rddreg [dreg:$0x7]  }
0x166: {  	s9 =	sadd.s32 s7, s11;
	s11 =	simm.s32 $0x15100  }
0x167: {  	[hbm4b:s9+s2] =	stream.strided.scatter [tilespmem:s11], [sflag:$0x7], $0x640, s28, s2, $0x38;
	[tilespmem:$0x19C00] =	vst v63  }
0x168: {  	s11 =	rddreg [dreg:$0x6]  }
0x169: {  	s9 =	sadd.s32 s7, s11;
	s11 =	simm.s32 $0x15740  }
0x16a: {  	[hbm4b:s9+s2] =	stream.strided.scatter [tilespmem:s11], [sflag:$0x7], $0x640, s28, s2, $0x38;
	[tilespmem:$0x19C00] =	vst v63  }
0x16b: {  	s11 =	rddreg [dreg:$0x5]  }
0x16c: {  	s9 =	sadd.s32 s7, s11;
	s11 =	simm.s32 $0x15D80  }
0x16d: {  	[hbm4b:s9+s2] =	stream.strided.scatter [tilespmem:s11], [sflag:$0x7], $0x640, s28, s2, $0x38;
	[tilespmem:$0x19C00] =	vst v63  }
0x16e: {  	s11 =	rddreg [dreg:$0x4]  }
0x16f: {  	s9 =	sadd.s32 s7, s11;
	s11 =	simm.s32 $0x163C0  }
0x170: {  	[hbm4b:s9+s2] =	stream.strided.scatter [tilespmem:s11], [sflag:$0x7], $0x640, s28, s2, $0x38;
	[tilespmem:$0x19C00] =	vst v63  }
0x171: {  	_ =	swait.ge [sflag:s3], $0x3200  }
0x172: {  	[sflag:s3] =	ssyncset.done $0x0  }
0x173: {  	s9 =	sadd.s32 @!p0 $0xFFFFFE70, s6;
	s11 =	simm.s32 @!p0 $0x10600;
	[sflag:s3] =	ssyncadd.s32 $0xFFFFCE00  }
0x174: {  	[tilespmem:s11], [sflag:$0x2] =	stream.indirect.gather @!p0 [hbm4b:s24+s10], $0x20, s9, s10, $0xb8;
	[tilespmem:$0x19C00] =	vst v63  }
0x175: {  	_ =	swait.ge [sflag:s4], $0x3200  }
0x176: {  	[sflag:s4] =	ssyncset.done $0x0  }
0x177: {  	s11 =	sadd.s32 $0x5400, s8;
	[sflag:s4] =	ssyncadd.s32 $0xFFFFCE00  }
0x178: {  	[hbm4b:s11+s2] =	stream.strided.scatter [tilespmem:s25], [sflag:$0x8], $0x640, s28, s2, $0x38;
	[tilespmem:$0x19C00] =	vst v63  }
0x179: {  	s10 =	sadd.s32 $0x5780, s8;
	s11 =	simm.s32 $0x17040  }
0x17a: {  	[hbm4b:s10+s2] =	stream.strided.scatter [tilespmem:s11], [sflag:$0x8], $0x640, s28, s2, $0x38;
	[tilespmem:$0x19C00] =	vst v63  }
0x17b: {  	s10 =	sadd.s32 s7, s23;
	s11 =	simm.s32 $0x17680  }
0x17c: {  	[hbm4b:s10+s2] =	stream.strided.scatter [tilespmem:s11], [sflag:$0x8], $0x640, s28, s2, $0x38;
	[tilespmem:$0x19C00] =	vst v63  }
0x17d: {  	s8 =	sadd.s32 $0x5E80, s8;
	s11 =	simm.s32 $0x17CC0  }
0x17e: {  	[hbm4b:s8+s2] =	stream.strided.scatter [tilespmem:s11], [sflag:$0x8], $0x640, s28, s2, $0x38;
	[tilespmem:$0x19C00] =	vst v63  }
0x17f: {  	s10 =	sadd.s32 s7, s22;
	s11 =	simm.s32 $0x18300  }
0x180: {  	[hbm4b:s10+s2] =	stream.strided.scatter [tilespmem:s11], [sflag:$0x8], $0x640, s28, s2, $0x38;
	[tilespmem:$0x19C00] =	vst v63  }
0x181: {  	s10 =	sadd.s32 s7, s20;
	s11 =	simm.s32 $0x18940  }
0x182: {  	[hbm4b:s10+s2] =	stream.strided.scatter [tilespmem:s11], [sflag:$0x8], $0x640, s28, s2, $0x38;
	[tilespmem:$0x19C00] =	vst v63  }
0x183: {  	s10 =	sadd.s32 s7, s19;
	s11 =	simm.s32 $0x18F80  }
0x184: {  	[hbm4b:s10+s2] =	stream.strided.scatter [tilespmem:s11], [sflag:$0x8], $0x640, s28, s2, $0x38;
	[tilespmem:$0x19C00] =	vst v63  }
.Ltmp3:
0x185: {  	s10 =	sadd.s32 s7, s18;
	s11 =	simm.s32 $0x195C0;
	(pc) =	sbr.rel @p0 .LBB2_6-.Ltmp3, $4  }
0x186: {  	[hbm4b:s10+s2] =	stream.strided.scatter [tilespmem:s11], [sflag:$0x8], $0x640, s28, s2, $0x38;
	[tilespmem:$0x19C00] =	vst v63  }
0x187: {  	_ =	swait.ge [sflag:s5], $0x3200  }
0x188: {  	[sflag:s5] =	ssyncset.done $0x0  }
0x189: {  	[sflag:s5] =	ssyncadd.s32 $0xFFFFCE00  }
.Ltmp4:
0x18a: {  	(pc) =	sbr.rel .LBB2_4-.Ltmp4, $3  }
0x18b: {  	_ =	sdelay $0x1  }
0x18c: {  	[tilespmem:s0], [sflag:$0x3] =	stream.indirect.gather [hbm4b:s24+s30], $0x20, s6, s30, $0xb8;
	[tilespmem:$0x19C00] =	vst v63  }
0x18d: {  	s6 =	sadd.s32 $0x640, s6;
	s7 =	sadd.s32 $0x7000, s7  }
.LBB2_7:
0x18e: {  	_ =	sfence.sel $0x180000  }
0x18f: {  	[bflag:$0x0] =	sbarrier.arrive $0xFFFF  }
0x190: {  	_ =	strace $0x90000047  }
0x191: {  	s0 =	stileid.u32;
	[bflag:$0x2] =	sbarrier.arrive $0xFFFF  }
0x192: {  	p0 =	sne.s32 s0, $0x0;
	s0 =	rddreg [dreg:$0x2]  }
0x193: {  	s0 =	sadd.s32 @!p0 $0x100000, s0  }
0x194: {  	[sflag:s0] =	ssyncadd.tile.s32 @!p0 $0x1;
	_ =	shalt  }
.Lfunc_end2:
_tile_overlayer_lowered:
.L_overlay_start_2:
0x195: {  	(tag) =	ssettag $0x2  }
0x196: {  	s0 =	rddreg [dreg:$0x0];
	s2 =	stileid.u32  }
0x197: {  	s1 =	rddreg [dreg:$0x1];
	p0 =	sne.s32 s2, $0x0  }
0x198: {  	s3 =	rddreg [dreg:$0x2];
	[bflag:$0x3] =	sbarrier.arrive $0xFFFF;
	s2 =	simm.s32 @!p0 $0x1C09  }
0x199: {  	[timem:s3], [sflag:s2] =	dma.local @!p0 [hbm:s0], s1  }
0x19a: {  	s0 =	simm.s32 @!p0 $0x9  }
0x19b: {  	_ =	swait.ge @!p0 [sflag:s0], s1  }
0x19c: {  	s1 =	ssub.s32 @!p0 $0x0, s1;
	[sflag:s0] =	ssyncset.done @!p0 $0x0  }
0x19d: {  	[sflag:s0] =	ssyncadd.s32 @!p0 s1  }
0x19e: {  	[bflag:$0x3] =	sbarrier.arrive $0xFFFF  }
0x19f: {  	_ =	shalt  }

// kernel: sparse-core-data-format-call.cloned.1.call-start
scs
called_computation_lowered:
.L_overlay_start_0:
0x0: {  	s2 =	sld [smem:$0x3FD9]  }
0x1: {  	s3 =	sld [smem:$0x3FFE];
	_ =	sdelay $0x1  }
0x2: {  	s1 =	srdreg.scid  }
0x3: {  	s0 =	sand.u32 $0x1, s1  }
0x4: {  	s18 =	sshll.u32 s0, $0xA;
	s2 =	sadd.s32 s3, s2  }
0x5: {  	s2 =	sadd.s32 s2, s18  }
0x6: {  	[smem:$0x3FC6] =	sst s2  }
0x7: {  	_ = 	snop  }
0x8: {  	s2 =	sld [smem:$0x3FD0];
	(tm) =	ssettm $0x1  }
0x9: {  	s19 =	sld [smem:$0x3FFB];
	_ =	sdelay $0x3  }
0xa: {  	_ =	strace s19  }
0xb: {  	s3 =	sld [smem:$0x3FFC];
	_ =	sdelay $0x3  }
0xc: {  	_ =	strace s3  }
0xd: {  	s3 =	sld [smem:$0x3FFD];
	_ =	sdelay $0x3  }
0xe: {  	_ =	strace s3  }
0xf: {  	_ =	strace $0x8FFFFFFF  }
0x10: {  	s20 =	sld [smem:$0x3FDB];
	_ =	sdelay $0x1  }
0x11: {  	s4 =	simm.s32 $_scs_section_size  }
0x12: {  	s5 =	simm.s32 $_size__tile_overlayer_lowered;
	s6 =	simm.s32 $_tile_overlayer_lowered  }
0x13: {  	s23 =	simm.s32 $0x1BFF;
	s22 =	sshll.u32 s6, $0x1;
	s3 =	sadd.s32 s4, s20  }
0x14: {  	s7 =	simm.s32 $0x0;
	s21 =	sshll.u32 s5, $0x1;
	s5 =	sadd.s32 s22, s3  }
0x15: {  	[timem:s7], [sflag:s23] =	dma.local [hbm:s5], s21  }
0x16: {  	_ =	swait.ge [sflag:s23], s21  }
0x17: {  	s4 =	ssub.s32 $0x0, s21;
	[sflag:s23] =	ssyncset.done $0x0  }
0x18: {  	[sflag:s23] =	ssyncadd.s32 s4;
	_ =	sdelay $0x1  }
0x19: {  	s24 =	simm.s32 $0x1B8B  }
0x1a: {  	_ =	swait.ge [sflag:s24], $0x1  }
0x1b: {  	[sflag:s24] =	ssyncset.done $0x0  }
0x1c: {  	s26 =	simm.s32 $0x1B8E;
	s25 =	sld [smem:$0x3FFE];
	[sflag:s24] =	ssyncadd.s32 $0xFFFFFFFF  }
0x1d: {  	s27 =	simm.s32 $execute0_lowered;
	[smem:$0x3FD2] =	sst s26  }
0x1e: {  	s5 =	sshll.u32 s27, $0x1;
	_ =	strace $0x80000049;
	[dreg:$0x1] =	wrdreg $0xFFFFFFFF  }
0x1f: {  	s28 =	simm.s32 $_size_execute0_lowered;
	s3 =	sadd.s32 s3, s5;
	[dreg:$0x0] =	wrdreg $0x0  }
0x20: {  	s5 =	sshll.u32 s28, $0x1;
	[dreg:$0x2] =	wrdreg s3  }
0x21: {  	[dreg:$0x3] =	wrdreg s5  }
0x22: {  	[dreg:$0x4] =	wrdreg $0xC0  }
0x23: {  	_ =	task [dreg:s7], $0x5FFFF  }
0x24: {  	[dreg:$0x1] =	wrdreg $0xFFFFFFFF  }
0x25: {  	[dreg:$0x0] =	wrdreg $0x60  }
0x26: {  	[dreg:$0x2] =	wrdreg s25  }
0x27: {  	[dreg:$0x3] =	wrdreg s2  }
0x28: {  	[dreg:$0x4] =	wrdreg $0x9  }
0x29: {  	_ =	task.clear_ibuf [dreg:s7], $0x5FFFF;
	_ =	strace $0x90000049  }
0x2a: {  	s29 =	simm.s32 $0x9;
	_ =	strace $0x8000004B  }
0x2b: {  	_ =	swait.ge [sflag:s29], $0x1  }
0x2c: {  	[sflag:s29] =	ssyncadd.s32 $0xFFFFFFFF  }
0x2d: {  	_ =	strace $0x9000004B  }
0x2e: {  	_ =	sfence  }
0x2f: {  	s30 =	sld [smem:$0x0];
	_ =	sdelay $0x2  }
0x30: {  	s31 =	sshll.u32 s1, $0xD;
	s1 =	sshrl.u32 s1, $0x2  }
0x31: {  	s3 =	sand.u32 $0x4000, s31;
	s1 =	sadd.s32 s1, s30  }
0x32: {  	s0 =	sor.u32 s3, s0;
	s1 =	sshll.u32 s1, $0x11  }
0x33: {  	s0 =	sor.u32 s1, s0  }
0x34: {  	s0 =	sadd.s32 $0x8F2B, s0  }
0x35: {  	[sflag:s0] =	ssyncadd.remote.s32 $0x1  }
0x36: {  	_ =	sfence.sel $0xFFFF  }
0x37: {  	[dreg:$0x0] =	wrdreg $0xFFFFFFFF;
	(pc) =	sbr.abs _section_cstart, $3  }
0x38: {  	[dreg:$0x1] =	wrdreg $0xFFFFFFFF  }
0x39: {  	_ =	task.clear_ibuf [dreg:s7], $0x2FFFF;
	_ =	strace $0x9FFFFFFF  }
0x3a: {  	(tm) =	ssettm $0x7FFFFFFF  }
0x3b: {  	_ =	shalt  }
tec
execute0_lowered:
.L_overlay_start_1:
0x0: {  	(tag) =	ssettag $0x1  }
0x1: {  	s0 =	srdreg.scid  }
0x2: {  	s1 =	sshll.u32 s0, $0x4  }
0x3: {  	s0 =	stileid.u32;
	s1 =	sand.u32 $0x10, s1  }
0x4: {  	s1 =	sor.u32 s0, s1  }
0x5: {  	s6 =	rddreg [dreg:$0x0];
	s4 =	simm.s32 $0x1;
	s2 =	sshll.u32 s1, $0x7  }
0x6: {  	s7 =	simm.s32 $0x2;
	s12 =	simm.s32 $0x0;
	s1 =	ssub.s32 $0x4000, s2  }
0x7: {  	s8 =	simm.s32 $0x20000;
	s13 =	simm.s32 $0x0;
	s3 =	sand.u32 $0xF80, s1  }
0x8: {  	s9 =	simm.s32 $0x0;
	s5 =	sshrl.u32 s1, $0xC;
	p0 =	sne.s32 s3, $0x0  }
.Ltmp0:
0x9: {  	s1 =	rddreg [dreg:$0x2];
	s4 =	simm.s32 @!p0 $0x0;
	(pc) =	sbr.rel .LBB1_1-.Ltmp0, $4  }
0xa: {  	s11 =	simm.s32 $0x0;
	s3 =	rddreg [dreg:$0x1];
	s5 =	sadd.s32 s4, s5  }
0xb: {  	_ =	strace $0x8000004A;
	s4 =	simm.s32 $0x1;
	s5 =	smul.u32 $0x32, s5  }
0xc: {  	s6 =	sadd.s32 $0xA00, s6;
	s10 =	smov.u32 s2;
	[sflag:s4] =	ssyncpa.u1 $0x0  }
0xd: {  	p0 =	por $0x0, $0x0;
	[sflag:s7] =	ssyncpa.u1 $0x0;
	s7 =	sor.u32 $0x1, s5  }
.LBB1_4:
0xe: {  	s16 =	sshll.u32 s13, $0x3;
	s17 =	sand.u32 $0x78, s13  }
0xf: {  	s30 =	sand.u32 $0xF800, s13;
	s12 =	sshll.u32 s12, $0x10;
	s16 =	sand.u32 $0x3C00, s16  }
0x10: {  	s31 =	sand.u32 $0x7, s13;
	s16 =	sor.u32 s17, s16;
	s17 =	sadd.s32 s3, s30  }
0x11: {  	s13 =	sshll.u32 s31, $0x12;
	s16 =	sshrl.u32 s16, $0x3;
	s12 =	sadd.s32 s12, s17  }
0x12: {  	[tilespmem:s15+$0x0 ss:$0x81] =	vst.msk $0xffff, v0;
	s13 =	sor.u32 $0x400, s13;
	s12 =	sadd.s32 s16, s12  }
0x13: {  	[hbm4b:s12+s13] =	stream.strided.scatter [tilespmem:s14], [sflag:$0x2], $0x1000, s8, s13, $0x20;
	[tilespmem:$0x4040] =	vst v63  }
.LBB1_5:
0x14: {  	s14 =	sadd.s32 $0x1, s9  }
0x15: {  	s12 =	sadd.s32 $0x1000, s10;
	s16 =	smov.u32 s10;
	p2 =	sgt.s32 s14, $0x31  }
0x16: {  	s16 =	smov.u32 @p2 s12  }
0x17: {  	s14 =	simm.s32 @p2 $0x0;
	p2 =	sgt.s32 s16, $0x3FFF  }
0x18: {  	s16 =	smov.u32 @p2 s2;
	p2 =	sne.s32 s11, s7  }
.Ltmp1:
0x19: {  	p1 =	slt.u32 s11, $0x2;
	(pc) =	sbr.rel @!p2 .LBB1_6-.Ltmp1, $4  }
0x1a: {  	s15 =	simm.s32 @!p1 $0x2  }
0x1b: {  	s13 =	smov.u32 s10;
	p0 =	por !p0, !p0;
	_ =	swait.ge @!p1 [sflag:s15], $0x1000  }
0x1c: {  	s12 =	smov.u32 s9;
	[sflag:s15] =	ssyncset.done @!p1 $0x0;
	s9 =	smov.u32 s14  }
0x1d: {  	s11 =	sadd.s32 $0x1, s11;
	[sflag:s15] =	ssyncadd.s32 @!p1 $0xFFFFF000;
	s10 =	smov.u32 s16  }
.LBB1_1:
0x1e: {  	p1 =	sge.u32 s11, s5  }
0x1f: {  	s14 =	sand.u32 @!p1 $0x1FFFFFF, s9  }
0x20: {  	s15 =	smulhi.u32 @!p1 $0x4924925, s14;
	_ =	sdelay $0x1  }
0x21: {  	s15 =	smul.u32 @!p1 $0x38, s15  }
0x22: {  	s16 =	sxor.u32 @!p1 $0xFFFFFFFF, s11;
	s17 =	smul.u32 @!p1 $0x380, s10  }
0x23: {  	s31 =	sadd.s32 $0xFFFFFFFF, s11;
	s16 =	sshll.u32 @!p1 s16, $0xC;
	s14 =	ssub.s32 @!p1 s14, s15  }
0x24: {  	s15 =	sand.u32 @!p1 $0x1000, s16;
	s16 =	sadd.s32 @!p1 s6, s17;
	s14 =	sshll.u32 @!p1 s14, $0x4  }
0x25: {  	s17 =	simm.s32 @!p1 $0x1C00;
	s14 =	sadd.s32 @!p1 s14, s16;
	s16 =	simm.s32 @!p1 $0x20  }
0x26: {  	[tilespmem:s15], [sflag:$0x1] =	stream.strided.gather @!p1 [hbm4b:s14+s16], $0x1000, s17, s16, $0x38;
	[tilespmem:$0x4040] =	vst v63  }
0x27: {  	p1 =	sge.u32 s31, s5  }
.Ltmp2:
0x28: {  	_ = 	snop;
	(pc) =	sbr.rel @p1 .LBB1_5-.Ltmp2, $1  }
0x29: {  	_ =	sdelay $0x3  }
0x2a: {  	s14 =	simm.s32 $0x1  }
0x2b: {  	_ =	swait.ge [sflag:s4], $0x1000;
	s14 =	simm.s32 @!p0 $0x0  }
0x2c: {  	[sflag:s4] =	ssyncset.done $0x0;
	s15 =	sshll.u32 s14, $0xC  }
0x2d: {  	[sflag:s4] =	ssyncadd.s32 $0xFFFFF000;
	s18 =	sor.u32 $0x10, s15  }
0x2e: {  	s14 =	smul.u32 $0x4080, s14;
	v1 =	vld [tilespmem:s18+$0x0]  }
0x2f: {  	s30 =	sand.u32 $0x1, s11;
	v0 =	vld [tilespmem:s18+$0xFFFFFFF0]  }
0x30: {  	s15 =	smul.u32 $0x4080, s30;
	s14 =	sshrl.u32 s14, $0x2  }
0x31: {  	s16 =	sor.u32 $0x2000, s14  }
0x32: {  	s31 =	sshrl.u32 s15, $0x2;
	s15 =	sadd.s32 $0x0, s16  }
0x33: {  	s17 =	simm.s32 $0x4;
	s18 =	sadd.s32 $0x20, s18;
	s14 =	sor.u32 $0x2000, s31;
	[tilespmem:s15+$0x810 ss:$0x81] =	vst.msk $0xffff, v1  }
.LBB1_3:
0x34: {  	v1 =	vld [tilespmem:s18+$0x0];
	p1 =	sne.s32 s17, $0x1FC;
	[tilespmem:s15+$0x0 ss:$0x81] =	vst.msk $0xffff, v0;
	s15 =	smov.u32 s17;
	s17 =	sadd.s32 $0x4, s17  }
.Ltmp3:
0x35: {  	v0 =	vld [tilespmem:s18+$0xFFFFFFF0];
	(pc) =	sbr.rel @p1 .LBB1_3-.Ltmp3, $4  }
0x36: {  	_ = 	snop  }
0x37: {  	s15 =	sshra.s32 s15, $0x2  }
0x38: {  	s15 =	sadd.s32 s15, s16  }
0x39: {  	s18 =	sadd.s32 $0x20, s18;
	[tilespmem:s15+$0x810 ss:$0x81] =	vst.msk $0xffff, v1  }
.Ltmp4:
0x3a: {  	_ = 	snop;
	(pc) =	sbr.rel .LBB1_4-.Ltmp4, $1  }
0x3b: {  	_ =	sdelay $0x3  }
.LBB1_6:
0x3c: {  	_ =	sfence.sel $0x180000  }
0x3d: {  	s2 =	simm.s32 $0x1;
	[bflag:$0x0] =	sbarrier.arrive $0xFFFF  }
0x3e: {  	s31 =	simm.s32 $0x2;
	[sflag:s2] =	ssyncpa.u1 $0x1  }
0x3f: {  	[sflag:s31] =	ssyncpa.u1 $0x1  }
0x40: {  	p0 =	sne.s32 s0, $0x0;
	_ =	strace $0x9000004A  }
0x41: {  	s0 =	sadd.s32 @!p0 $0x100000, s1;
	[bflag:$0x2] =	sbarrier.arrive $0xFFFF  }
0x42: {  	[sflag:s0] =	ssyncadd.tile.s32 @!p0 $0x1;
	_ =	shalt  }
.Lfunc_end1:
_tile_overlayer_lowered:
.L_overlay_start_2:
0x43: {  	(tag) =	ssettag $0x2  }
0x44: {  	s0 =	rddreg [dreg:$0x0];
	s2 =	stileid.u32  }
0x45: {  	s1 =	rddreg [dreg:$0x1];
	p0 =	sne.s32 s2, $0x0  }
0x46: {  	s3 =	rddreg [dreg:$0x2];
	[bflag:$0x3] =	sbarrier.arrive $0xFFFF;
	s2 =	simm.s32 @!p0 $0x1C01  }
0x47: {  	[timem:s3], [sflag:s2] =	dma.local @!p0 [hbm:s0], s1  }
0x48: {  	s0 =	simm.s32 @!p0 $0x1  }
0x49: {  	_ =	swait.ge @!p0 [sflag:s0], s1  }
0x4a: {  	s1 =	ssub.s32 @!p0 $0x0, s1;
	[sflag:s0] =	ssyncset.done @!p0 $0x0  }
0x4b: {  	[sflag:s0] =	ssyncadd.s32 @!p0 s1  }
0x4c: {  	[bflag:$0x3] =	sbarrier.arrive $0xFFFF  }
0x4d: {  	_ =	shalt  }

</sc_bundles>
